<compile_context>
chip_gen: v7x
topology: tpu7x:2x2x1
jax: 0.10.2.dev20260603
libtpu: 0.0.44.dev20260713+nightly
codegen_flags: <defaults>
</compile_context>

<pallas_src>
import functools

import jax
import jax.numpy as jnp
from jax import lax
from jax.experimental import pallas as pl
from jax.experimental.pallas import tpu as pltpu
from jax.experimental.pallas import tpu_sc as plsc

N = 20000
MAX_OUT = 100
IOU_THRESH = 0.7

L = 16
NSUB = 16
NPAD = 20480
SHARD = NPAD // NSUB
NSL = SHARD // L
OUTPAD = 512
ROW = 16


def _nms_sc_body(x1h, y1h, x2h, y2h, sch, outh,
                 x1v, y1v, x2v, y2v, scv, arv, wkv, ixv,
                 tbl_sh, tblv, stage, sci, outv):
    sid = lax.axis_index("s")
    cid = lax.axis_index("c")
    base = sid * SHARD

    pltpu.sync_copy(x1h.at[pl.ds(base, SHARD)], x1v)
    pltpu.sync_copy(y1h.at[pl.ds(base, SHARD)], y1v)
    pltpu.sync_copy(x2h.at[pl.ds(base, SHARD)], x2v)
    pltpu.sync_copy(y2h.at[pl.ds(base, SHARD)], y2v)
    pltpu.sync_copy(sch.at[pl.ds(base, SHARD)], scv)

    ninf = jnp.float32(-jnp.inf)
    bigf = jnp.float32(3.0e38)
    ii = lax.iota(jnp.int32, L)
    iif = ii.astype(jnp.float32)
    base_f = jnp.broadcast_to(base, (L,)).astype(jnp.float32)
    bv0 = jnp.broadcast_to(ninf, (L,))
    bi0 = base_f + iif

    def upd2(w, ixs, st):
        bv1, bi1, bv2, bi2 = st
        m1 = w > bv1
        dv = jnp.where(m1, bv1, w)
        di = jnp.where(m1, bi1, ixs)
        nbv1 = jnp.where(m1, w, bv1)
        nbi1 = jnp.where(m1, ixs, bi1)
        m2 = (dv > bv2) | ((dv == bv2) & (di < bi2))
        return nbv1, nbi1, jnp.where(m2, dv, bv2), jnp.where(m2, di, bi2)

    def xlane(v, ix):
        m = jnp.max(v, axis=0)
        i = jnp.min(jnp.where(v == m, ix, bigf), axis=0)
        return jnp.broadcast_to(m, (L,)), jnp.broadcast_to(i, (L,))

    def init_j(j, st):
        s = pl.ds(j * L, L)
        a, b, c, d, sc = x1v[s], y1v[s], x2v[s], y2v[s], scv[s]
        arv[s] = jnp.maximum(c - a, 0.0) * jnp.maximum(d - b, 0.0)
        valid = (c > a + 1.0) & (d > b + 1.0)
        w = jnp.where(valid, sc, ninf)
        wkv[s] = w
        ix = base_f + jnp.broadcast_to(j * L, (L,)).astype(jnp.float32) + iif
        ixv[s] = ix
        return upd2(w, ix, st)

    st0 = (bv0, bi0, bv0, bi0)
    top0 = lax.fori_loop(0, NSL, init_j, st0)

    def cond_fn(c):
        return c[0] < MAX_OUT

    def round_body(c):
        oi, r, bv1, bi1, bv2, bi2 = c
        l1v, l1i = xlane(bv1, bi1)
        repl = bi1 == l1i
        l2v, l2i = xlane(jnp.where(repl, bv2, bv1), jnp.where(repl, bi2, bi1))
        loc1 = (l1i - base_f).astype(jnp.int32)
        loc2 = (l2i - base_f).astype(jnp.int32)
        pub = jnp.where(ii == 0, l1v, jnp.float32(0.0))
        pub = jnp.where(ii == 1, l1i, pub)
        pub = jnp.where(ii == 2, plsc.load_gather(x1v, [loc1]), pub)
        pub = jnp.where(ii == 3, plsc.load_gather(y1v, [loc1]), pub)
        pub = jnp.where(ii == 4, plsc.load_gather(x2v, [loc1]), pub)
        pub = jnp.where(ii == 5, plsc.load_gather(y2v, [loc1]), pub)
        pub = jnp.where(ii == 6, plsc.load_gather(scv, [loc1]), pub)
        pub = jnp.where(ii == 7, l2v, pub)
        pub = jnp.where(ii == 8, l2i, pub)
        pub = jnp.where(ii == 9, plsc.load_gather(x1v, [loc2]), pub)
        pub = jnp.where(ii == 10, plsc.load_gather(y1v, [loc2]), pub)
        pub = jnp.where(ii == 11, plsc.load_gather(x2v, [loc2]), pub)
        pub = jnp.where(ii == 12, plsc.load_gather(y2v, [loc2]), pub)
        pub = jnp.where(ii == 13, plsc.load_gather(scv, [loc2]), pub)
        stage[...] = pub
        off = (r & 1) * (NSUB * ROW)
        pltpu.sync_copy(stage, tbl_sh.at[pl.ds(off + sid * ROW, ROW)])
        plsc.subcore_barrier()
        pltpu.sync_copy(tbl_sh.at[pl.ds(off, NSUB * ROW)], tblv)

        rows = ii * ROW
        v1 = plsc.load_gather(tblv, [rows])
        i1 = plsc.load_gather(tblv, [rows + 1])
        g1v, g1i = xlane(v1, i1)
        w1 = (g1i.astype(jnp.int32) // SHARD) * ROW
        bx1 = plsc.load_gather(tblv, [w1 + 2])
        by1 = plsc.load_gather(tblv, [w1 + 3])
        bx2 = plsc.load_gather(tblv, [w1 + 4])
        by2 = plsc.load_gather(tblv, [w1 + 5])
        bsc = plsc.load_gather(tblv, [w1 + 6])
        ar1 = jnp.maximum(bx2 - bx1, 0.0) * jnp.maximum(by2 - by1, 0.0)

        repl2 = i1 == g1i
        v2c = jnp.where(repl2, plsc.load_gather(tblv, [rows + 7]), v1)
        i2c = jnp.where(repl2, plsc.load_gather(tblv, [rows + 8]), i1)
        g2v, g2i = xlane(v2c, i2c)
        w2 = (g2i.astype(jnp.int32) // SHARD) * ROW
        own1i = plsc.load_gather(tblv, [w2 + 1])
        cofs = jnp.where(own1i == g2i, 2, 9)
        cx1 = plsc.load_gather(tblv, [w2 + cofs])
        cy1 = plsc.load_gather(tblv, [w2 + cofs + 1])
        cx2 = plsc.load_gather(tblv, [w2 + cofs + 2])
        cy2 = plsc.load_gather(tblv, [w2 + cofs + 3])
        csc = plsc.load_gather(tblv, [w2 + cofs + 4])
        ar2 = jnp.maximum(cx2 - cx1, 0.0) * jnp.maximum(cy2 - cy1, 0.0)

        px1 = jnp.maximum(cx1, bx1)
        py1 = jnp.maximum(cy1, by1)
        px2 = jnp.minimum(cx2, bx2)
        py2 = jnp.minimum(cy2, by2)
        pint = jnp.maximum(px2 - px1, 0.0) * jnp.maximum(py2 - py1, 0.0)
        piou = pint / (ar2 + ar1 - pint + 1e-8)
        acc = jnp.logical_not(piou > IOU_THRESH) & (g2v != ninf)

        def sup_one(s, st2):
            xa, ya, xb, yb = x1v[s], y1v[s], x2v[s], y2v[s]
            ar, ixs = arv[s], ixv[s]
            qx1 = jnp.maximum(xa, bx1)
            qy1 = jnp.maximum(ya, by1)
            qx2 = jnp.minimum(xb, bx2)
            qy2 = jnp.minimum(yb, by2)
            qin = jnp.maximum(qx2 - qx1, 0.0) * jnp.maximum(qy2 - qy1, 0.0)
            sup1 = qin / (ar + ar1 - qin + 1e-8) > IOU_THRESH
            ux1 = jnp.maximum(xa, cx1)
            uy1 = jnp.maximum(ya, cy1)
            ux2 = jnp.minimum(xb, cx2)
            uy2 = jnp.minimum(yb, cy2)
            uin = jnp.maximum(ux2 - ux1, 0.0) * jnp.maximum(uy2 - uy1, 0.0)
            sup2 = acc & (uin / (ar + ar2 - uin + 1e-8) > IOU_THRESH)
            w = jnp.where(sup1 | sup2, ninf, wkv[s])
            wkv[s] = w
            return upd2(w, ixs, st2)

        def sup_j(j, st2):
            sta, stb = st2
            sta = sup_one(pl.ds(j * 2 * L, L), sta)
            stb = sup_one(pl.ds(j * 2 * L + L, L), stb)
            return sta, stb

        sta, stb = lax.fori_loop(0, NSL // 2, sup_j, (st0, st0))
        nst = upd2(stb[0], stb[1], sta)
        nst = upd2(stb[2], stb[3], nst)

        z = jnp.float32(0.0)
        row1 = jnp.where(ii == 0, bx1, z)
        row1 = jnp.where(ii == 1, by1, row1)
        row1 = jnp.where(ii == 2, bx2, row1)
        row1 = jnp.where(ii == 3, by2, row1)
        row1 = jnp.where(ii == 4, bsc, row1)
        oiv = jnp.broadcast_to(oi, (L,))
        plsc.store_scatter(outv, [oiv * 5 + ii], row1, mask=ii < 5)
        row2 = jnp.where(ii == 0, cx1, z)
        row2 = jnp.where(ii == 1, cy1, row2)
        row2 = jnp.where(ii == 2, cx2, row2)
        row2 = jnp.where(ii == 3, cy2, row2)
        row2 = jnp.where(ii == 4, csc, row2)
        plsc.store_scatter(outv, [(oiv + 1) * 5 + ii], row2, mask=(ii < 5) & acc)

        sci[...] = jnp.where(acc, 1, 0)
        noi = oi + 1 + sci[...][0]
        return (noi, r + 1) + nst

    lax.while_loop(cond_fn, round_body,
                   (jnp.int32(0), jnp.int32(0)) + top0)

    @pl.when((sid == 0) & (cid == 0))
    def _():
        pltpu.sync_copy(outv, outh)


def _make_nms_sc():
    mesh = plsc.VectorSubcoreMesh(
        core_axis_name="c", subcore_axis_name="s", num_cores=2, num_subcores=NSUB
    )
    return pl.kernel(
        _nms_sc_body,
        out_type=jax.ShapeDtypeStruct((OUTPAD,), jnp.float32),
        mesh=mesh,
        compiler_params=pltpu.CompilerParams(needs_layout_passes=False),
        scratch_types=[
            pltpu.VMEM((SHARD,), jnp.float32),
            pltpu.VMEM((SHARD,), jnp.float32),
            pltpu.VMEM((SHARD,), jnp.float32),
            pltpu.VMEM((SHARD,), jnp.float32),
            pltpu.VMEM((SHARD,), jnp.float32),
            pltpu.VMEM((SHARD,), jnp.float32),
            pltpu.VMEM((SHARD,), jnp.float32),
            pltpu.VMEM((SHARD,), jnp.float32),
            pltpu.VMEM_SHARED((2 * NSUB * ROW,), jnp.float32),
            pltpu.VMEM((NSUB * ROW,), jnp.float32),
            pltpu.VMEM((ROW,), jnp.float32),
            pltpu.VMEM((L,), jnp.int32),
            pltpu.VMEM((OUTPAD,), jnp.float32),
        ],
    )


def kernel(boxes, scores):
    pad = NPAD - N
    x1 = jnp.pad(boxes[:, 0], (0, pad))
    y1 = jnp.pad(boxes[:, 1], (0, pad))
    x2 = jnp.pad(boxes[:, 2], (0, pad))
    y2 = jnp.pad(boxes[:, 3], (0, pad))
    sc = jnp.pad(scores, (0, pad))
    out = _make_nms_sc()(x1, y1, x2, y2, sc)
    return out[: MAX_OUT * 5].reshape(MAX_OUT, 5)

# --- scband reference (transcript-rebuilt; emitter-appended) ---
"""Pipeline reference for scband-point-rcnn-68590627717127 (READ-ONLY COPY).

The authoritative reference and input builder live on the scoring server;
editing this copy changes nothing except your own understanding.
"""

import jax, jax.numpy as jnp
import numpy as np

N = 20000
MAX_OUT = 100
IOU_THRESH = 0.7


def setup_inputs(seed: int = 0) -> dict:
    key = jax.random.key(seed)
    k1, k2, k3 = jax.random.split(key, 3)
    # Realistic KITTI-like image-plane proposal boxes in xyxy format
    cxy = jax.random.uniform(k1, (N, 2), minval=0.0, maxval=1242.0)
    wh = jax.random.uniform(k2, (N, 2), minval=8.0, maxval=200.0)
    boxes = jnp.concatenate([cxy - wh / 2.0, cxy + wh / 2.0], axis=1).astype(jnp.float32)
    scores = jax.random.uniform(k3, (N,), dtype=jnp.float32)
    return {"boxes": boxes, "scores": scores}


def reference(boxes, scores):
    # remove_empty_proposals semantics from PointRCNN: width > 1 and height > 1
    valid = (boxes[:, 2] > boxes[:, 0] + 1.0) & (boxes[:, 3] > boxes[:, 1] + 1.0)
    work = jnp.where(valid, scores, -jnp.inf)
    x1, y1, x2, y2 = boxes[:, 0], boxes[:, 1], boxes[:, 2], boxes[:, 3]
    areas = jnp.clip(x2 - x1, 0.0) * jnp.clip(y2 - y1, 0.0)

    def body(i, state):
        work, keep = state
        best = jnp.argmax(work)
        keep = keep.at[i].set(best.astype(jnp.int32))
        bx1 = x1[best]; by1 = y1[best]; bx2 = x2[best]; by2 = y2[best]
        ix1 = jnp.maximum(x1, bx1); iy1 = jnp.maximum(y1, by1)
        ix2 = jnp.minimum(x2, bx2); iy2 = jnp.minimum(y2, by2)
        inter = jnp.clip(ix2 - ix1, 0.0) * jnp.clip(iy2 - iy1, 0.0)
        iou = inter / (areas + areas[best] - inter + 1e-8)
        work = jnp.where(iou > IOU_THRESH, -jnp.inf, work)
        work = work.at[best].set(-jnp.inf)
        return work, keep

    work, keep = jax.lax.fori_loop(
        0, MAX_OUT, body, (work, jnp.zeros((MAX_OUT,), dtype=jnp.int32))
    )
    sel_boxes = jnp.take(boxes, keep, axis=0)
    sel_scores = jnp.take(scores, keep, axis=0)
    return jnp.concatenate([sel_boxes, sel_scores[:, None]], axis=1)

if __name__ == "__main__":
    import jax
    _d = setup_inputs()
    print(jax.jit(kernel)(*tuple(_d.values())))

</pallas_src>

<mosaic_0001>
#map = affine_map<(d0, d1) -> (0)>
module attributes {stable_mosaic.version = 14 : i64} {
  func.func @_nms_sc_body(%arg0: i32, %arg1: i32, %arg2: memref<20480xf32, #tpu.memory_space<hbm>>, %arg3: memref<20480xf32, #tpu.memory_space<hbm>>, %arg4: memref<20480xf32, #tpu.memory_space<hbm>>, %arg5: memref<20480xf32, #tpu.memory_space<hbm>>, %arg6: memref<20480xf32, #tpu.memory_space<hbm>>, %arg7: memref<512xf32, #tpu.memory_space<hbm>>, %arg8: memref<1280xf32, #tpu.memory_space<vmem>>, %arg9: memref<1280xf32, #tpu.memory_space<vmem>>, %arg10: memref<1280xf32, #tpu.memory_space<vmem>>, %arg11: memref<1280xf32, #tpu.memory_space<vmem>>, %arg12: memref<1280xf32, #tpu.memory_space<vmem>>, %arg13: memref<1280xf32, #tpu.memory_space<vmem>>, %arg14: memref<1280xf32, #tpu.memory_space<vmem>>, %arg15: memref<1280xf32, #tpu.memory_space<vmem>>, %arg16: memref<512xf32, #tpu.memory_space<vmem_shared>>, %arg17: memref<256xf32, #tpu.memory_space<vmem>>, %arg18: memref<16xf32, #tpu.memory_space<vmem>>, %arg19: memref<16xi32, #tpu.memory_space<vmem>>, %arg20: memref<512xf32, #tpu.memory_space<vmem>>) attributes {dimension_semantics = [#tpu.dimension_semantics<core_parallel>, #tpu.dimension_semantics<subcore_parallel>], iteration_bounds = array<i64: 2, 16>, scalar_prefetch = 0 : i64, scratch_operands = 13 : i64, tpu.core_type = #tpu.core_type<sc_vector_subcore>, window_params = [{transform_indices = #map}, {transform_indices = #map}, {transform_indices = #map}, {transform_indices = #map}, {transform_indices = #map}, {transform_indices = #map}]} {
    %mul3A = arith.constant 1280 : i32
    %mul3A_0 = arith.muli %arg1, %mul3A : i32
    "tpu.region"() ({
      %run_scoped3A = tpu.sem_alloc : memref<!tpu.dma_semaphore, #tpu.memory_space<semaphore_mem>>
      %dma_start3A = tpu.memref_slice %arg2[%mul3A_0] : memref<20480xf32, #tpu.memory_space<hbm>> -> memref<1280xf32, #tpu.memory_space<hbm>>
      %dma_start3A_19 = tpu.memref_slice %arg2[%mul3A_0] : memref<20480xf32, #tpu.memory_space<hbm>> -> memref<1280xf32, #tpu.memory_space<hbm>>
      tpu.enqueue_dma source(%dma_start3A_19 : memref<1280xf32, #tpu.memory_space<hbm>>) target(%arg8 : memref<1280xf32, #tpu.memory_space<vmem>>) target_semaphore(%run_scoped3A : memref<!tpu.dma_semaphore, #tpu.memory_space<semaphore_mem>>)
      %dma_wait3A = tpu.memref_slice %arg2[%mul3A_0] : memref<20480xf32, #tpu.memory_space<hbm>> -> memref<1280xf32, #tpu.memory_space<hbm>>
      %dma_wait3A_20 = tpu.memref_slice %arg2[%mul3A_0] : memref<20480xf32, #tpu.memory_space<hbm>> -> memref<1280xf32, #tpu.memory_space<hbm>>
      tpu.wait_dma2 semaphore(%run_scoped3A : memref<!tpu.dma_semaphore, #tpu.memory_space<semaphore_mem>>) src(%dma_wait3A_20 : memref<1280xf32, #tpu.memory_space<hbm>>) dst(%arg8 : memref<1280xf32, #tpu.memory_space<vmem>>)
      tpu.yield
    }) : () -> ()
    "tpu.region"() ({
      %run_scoped3A = tpu.sem_alloc : memref<!tpu.dma_semaphore, #tpu.memory_space<semaphore_mem>>
      %dma_start3A = tpu.memref_slice %arg3[%mul3A_0] : memref<20480xf32, #tpu.memory_space<hbm>> -> memref<1280xf32, #tpu.memory_space<hbm>>
      %dma_start3A_19 = tpu.memref_slice %arg3[%mul3A_0] : memref<20480xf32, #tpu.memory_space<hbm>> -> memref<1280xf32, #tpu.memory_space<hbm>>
      tpu.enqueue_dma source(%dma_start3A_19 : memref<1280xf32, #tpu.memory_space<hbm>>) target(%arg9 : memref<1280xf32, #tpu.memory_space<vmem>>) target_semaphore(%run_scoped3A : memref<!tpu.dma_semaphore, #tpu.memory_space<semaphore_mem>>)
      %dma_wait3A = tpu.memref_slice %arg3[%mul3A_0] : memref<20480xf32, #tpu.memory_space<hbm>> -> memref<1280xf32, #tpu.memory_space<hbm>>
      %dma_wait3A_20 = tpu.memref_slice %arg3[%mul3A_0] : memref<20480xf32, #tpu.memory_space<hbm>> -> memref<1280xf32, #tpu.memory_space<hbm>>
      tpu.wait_dma2 semaphore(%run_scoped3A : memref<!tpu.dma_semaphore, #tpu.memory_space<semaphore_mem>>) src(%dma_wait3A_20 : memref<1280xf32, #tpu.memory_space<hbm>>) dst(%arg9 : memref<1280xf32, #tpu.memory_space<vmem>>)
      tpu.yield
    }) : () -> ()
    "tpu.region"() ({
      %run_scoped3A = tpu.sem_alloc : memref<!tpu.dma_semaphore, #tpu.memory_space<semaphore_mem>>
      %dma_start3A = tpu.memref_slice %arg4[%mul3A_0] : memref<20480xf32, #tpu.memory_space<hbm>> -> memref<1280xf32, #tpu.memory_space<hbm>>
      %dma_start3A_19 = tpu.memref_slice %arg4[%mul3A_0] : memref<20480xf32, #tpu.memory_space<hbm>> -> memref<1280xf32, #tpu.memory_space<hbm>>
      tpu.enqueue_dma source(%dma_start3A_19 : memref<1280xf32, #tpu.memory_space<hbm>>) target(%arg10 : memref<1280xf32, #tpu.memory_space<vmem>>) target_semaphore(%run_scoped3A : memref<!tpu.dma_semaphore, #tpu.memory_space<semaphore_mem>>)
      %dma_wait3A = tpu.memref_slice %arg4[%mul3A_0] : memref<20480xf32, #tpu.memory_space<hbm>> -> memref<1280xf32, #tpu.memory_space<hbm>>
      %dma_wait3A_20 = tpu.memref_slice %arg4[%mul3A_0] : memref<20480xf32, #tpu.memory_space<hbm>> -> memref<1280xf32, #tpu.memory_space<hbm>>
      tpu.wait_dma2 semaphore(%run_scoped3A : memref<!tpu.dma_semaphore, #tpu.memory_space<semaphore_mem>>) src(%dma_wait3A_20 : memref<1280xf32, #tpu.memory_space<hbm>>) dst(%arg10 : memref<1280xf32, #tpu.memory_space<vmem>>)
      tpu.yield
    }) : () -> ()
    "tpu.region"() ({
      %run_scoped3A = tpu.sem_alloc : memref<!tpu.dma_semaphore, #tpu.memory_space<semaphore_mem>>
      %dma_start3A = tpu.memref_slice %arg5[%mul3A_0] : memref<20480xf32, #tpu.memory_space<hbm>> -> memref<1280xf32, #tpu.memory_space<hbm>>
      %dma_start3A_19 = tpu.memref_slice %arg5[%mul3A_0] : memref<20480xf32, #tpu.memory_space<hbm>> -> memref<1280xf32, #tpu.memory_space<hbm>>
      tpu.enqueue_dma source(%dma_start3A_19 : memref<1280xf32, #tpu.memory_space<hbm>>) target(%arg11 : memref<1280xf32, #tpu.memory_space<vmem>>) target_semaphore(%run_scoped3A : memref<!tpu.dma_semaphore, #tpu.memory_space<semaphore_mem>>)
      %dma_wait3A = tpu.memref_slice %arg5[%mul3A_0] : memref<20480xf32, #tpu.memory_space<hbm>> -> memref<1280xf32, #tpu.memory_space<hbm>>
      %dma_wait3A_20 = tpu.memref_slice %arg5[%mul3A_0] : memref<20480xf32, #tpu.memory_space<hbm>> -> memref<1280xf32, #tpu.memory_space<hbm>>
      tpu.wait_dma2 semaphore(%run_scoped3A : memref<!tpu.dma_semaphore, #tpu.memory_space<semaphore_mem>>) src(%dma_wait3A_20 : memref<1280xf32, #tpu.memory_space<hbm>>) dst(%arg11 : memref<1280xf32, #tpu.memory_space<vmem>>)
      tpu.yield
    }) : () -> ()
    "tpu.region"() ({
      %run_scoped3A = tpu.sem_alloc : memref<!tpu.dma_semaphore, #tpu.memory_space<semaphore_mem>>
      %dma_start3A = tpu.memref_slice %arg6[%mul3A_0] : memref<20480xf32, #tpu.memory_space<hbm>> -> memref<1280xf32, #tpu.memory_space<hbm>>
      %dma_start3A_19 = tpu.memref_slice %arg6[%mul3A_0] : memref<20480xf32, #tpu.memory_space<hbm>> -> memref<1280xf32, #tpu.memory_space<hbm>>
      tpu.enqueue_dma source(%dma_start3A_19 : memref<1280xf32, #tpu.memory_space<hbm>>) target(%arg12 : memref<1280xf32, #tpu.memory_space<vmem>>) target_semaphore(%run_scoped3A : memref<!tpu.dma_semaphore, #tpu.memory_space<semaphore_mem>>)
      %dma_wait3A = tpu.memref_slice %arg6[%mul3A_0] : memref<20480xf32, #tpu.memory_space<hbm>> -> memref<1280xf32, #tpu.memory_space<hbm>>
      %dma_wait3A_20 = tpu.memref_slice %arg6[%mul3A_0] : memref<20480xf32, #tpu.memory_space<hbm>> -> memref<1280xf32, #tpu.memory_space<hbm>>
      tpu.wait_dma2 semaphore(%run_scoped3A : memref<!tpu.dma_semaphore, #tpu.memory_space<semaphore_mem>>) src(%dma_wait3A_20 : memref<1280xf32, #tpu.memory_space<hbm>>) dst(%arg12 : memref<1280xf32, #tpu.memory_space<vmem>>)
      tpu.yield
    }) : () -> ()
    %iota3A = tpu.iota {dimensions = array<i32: 0>} : vector<16xi32>
    %convert_element_type3A = arith.sitofp %iota3A : vector<16xi32> to vector<16xf32>
    %broadcast_in_dim3A = vector.broadcast %mul3A_0 : i32 to vector<16xi32>
    %convert_element_type3A_1 = arith.sitofp %broadcast_in_dim3A : vector<16xi32> to vector<16xf32>
    %broadcast_in_dim3A_2 = arith.constant 0xFF800000 : f32
    %broadcast_in_dim3A_3 = vector.broadcast %broadcast_in_dim3A_2 : f32 to vector<16xf32>
    %add3A = arith.addf %convert_element_type3A_1, %convert_element_type3A : vector<16xf32>
    %scan3A = arith.constant 0xFF800000 : f32
    %scan3A_4 = arith.constant 0 : i32
    %scan3A_5 = arith.constant 80 : i32
    %scan3A_6 = arith.addi %scan3A_4, %scan3A_5 : i32
    %scan3A_7 = arith.constant 1 : i32
    %scan3A_8:4 = scf.for %scan3A_19 = %scan3A_4 to %scan3A_6 step %scan3A_7 iter_args(%scan3A_20 = %broadcast_in_dim3A_3, %scan3A_21 = %add3A, %scan3A_22 = %broadcast_in_dim3A_3, %scan3A_23 = %add3A) -> (vector<16xf32>, vector<16xf32>, vector<16xf32>, vector<16xf32>)  : i32 {
      %mul3A_24 = arith.constant 16 : i32
      %mul3A_25 = arith.muli %scan3A_19, %mul3A_24 : i32
      %get3A = arith.index_cast %mul3A_25 : i32 to index
      %get3A_26 = tpu.vector_load %arg8[%get3A] {strides = array<i32>} : memref<1280xf32, #tpu.memory_space<vmem>>, vector<16xf32>,
      %get3A_27 = arith.index_cast %mul3A_25 : i32 to index
      %get3A_28 = tpu.vector_load %arg9[%get3A_27] {strides = array<i32>} : memref<1280xf32, #tpu.memory_space<vmem>>, vector<16xf32>,
      %get3A_29 = arith.index_cast %mul3A_25 : i32 to index
      %get3A_30 = tpu.vector_load %arg10[%get3A_29] {strides = array<i32>} : memref<1280xf32, #tpu.memory_space<vmem>>, vector<16xf32>,
      %get3A_31 = arith.index_cast %mul3A_25 : i32 to index
      %get3A_32 = tpu.vector_load %arg11[%get3A_31] {strides = array<i32>} : memref<1280xf32, #tpu.memory_space<vmem>>, vector<16xf32>,
      %get3A_33 = arith.index_cast %mul3A_25 : i32 to index
      %get3A_34 = tpu.vector_load %arg12[%get3A_33] {strides = array<i32>} : memref<1280xf32, #tpu.memory_space<vmem>>, vector<16xf32>,
      %sub3A = arith.subf %get3A_30, %get3A_26 : vector<16xf32>
      %max3A = arith.constant 0.000000e+00 : f32
      %max3A_35 = vector.broadcast %max3A : f32 to vector<16xf32>
      %max3A_36 = arith.maximumf %sub3A, %max3A_35 : vector<16xf32>
      %sub3A_37 = arith.subf %get3A_32, %get3A_28 : vector<16xf32>
      %max3A_38 = arith.constant 0.000000e+00 : f32
      %max3A_39 = vector.broadcast %max3A_38 : f32 to vector<16xf32>
      %max3A_40 = arith.maximumf %sub3A_37, %max3A_39 : vector<16xf32>
      %mul3A_41 = arith.mulf %max3A_36, %max3A_40 : vector<16xf32>
      %swap3A = arith.index_cast %mul3A_25 : i32 to index
      %swap3A_42 = tpu.vector_load %arg13[%swap3A] {strides = array<i32>} : memref<1280xf32, #tpu.memory_space<vmem>>, vector<16xf32>,
      tpu.vector_store %arg13[%swap3A], %mul3A_41 {strides = array<i32>} : memref<1280xf32, #tpu.memory_space<vmem>>, vector<16xf32>,
      %add3A_43 = arith.constant 1.000000e+00 : f32
      %add3A_44 = vector.broadcast %add3A_43 : f32 to vector<16xf32>
      %add3A_45 = arith.addf %get3A_26, %add3A_44 : vector<16xf32>
      %gt3A = arith.cmpf ogt, %get3A_30, %add3A_45 : vector<16xf32>
      %add3A_46 = arith.constant 1.000000e+00 : f32
      %add3A_47 = vector.broadcast %add3A_46 : f32 to vector<16xf32>
      %add3A_48 = arith.addf %get3A_28, %add3A_47 : vector<16xf32>
      %gt3A_49 = arith.cmpf ogt, %get3A_32, %add3A_48 : vector<16xf32>
      %and3A_50 = arith.andi %gt3A, %gt3A_49 : vector<16xi1>
      %broadcast_in_dim3A_51 = vector.broadcast %scan3A : f32 to vector<16xf32>
      %select_n3A = arith.select %and3A_50, %get3A_34, %broadcast_in_dim3A_51 : vector<16xi1>, vector<16xf32>
      %swap3A_52 = arith.index_cast %mul3A_25 : i32 to index
      %swap3A_53 = tpu.vector_load %arg14[%swap3A_52] {strides = array<i32>} : memref<1280xf32, #tpu.memory_space<vmem>>, vector<16xf32>,
      tpu.vector_store %arg14[%swap3A_52], %select_n3A {strides = array<i32>} : memref<1280xf32, #tpu.memory_space<vmem>>, vector<16xf32>,
      %mul3A_54 = arith.constant 16 : i32
      %mul3A_55 = arith.muli %scan3A_19, %mul3A_54 : i32
      %broadcast_in_dim3A_56 = vector.broadcast %mul3A_55 : i32 to vector<16xi32>
      %convert_element_type3A_57 = arith.sitofp %broadcast_in_dim3A_56 : vector<16xi32> to vector<16xf32>
      %add3A_58 = arith.addf %convert_element_type3A_1, %convert_element_type3A_57 : vector<16xf32>
      %add3A_59 = arith.addf %add3A_58, %convert_element_type3A : vector<16xf32>
      %swap3A_60 = arith.index_cast %mul3A_25 : i32 to index
      %swap3A_61 = tpu.vector_load %arg15[%swap3A_60] {strides = array<i32>} : memref<1280xf32, #tpu.memory_space<vmem>>, vector<16xf32>,
      tpu.vector_store %arg15[%swap3A_60], %add3A_59 {strides = array<i32>} : memref<1280xf32, #tpu.memory_space<vmem>>, vector<16xf32>,
      %gt3A_62 = arith.cmpf ogt, %select_n3A, %scan3A_20 : vector<16xf32>
      %select_n3A_63 = arith.select %gt3A_62, %scan3A_20, %select_n3A : vector<16xi1>, vector<16xf32>
      %select_n3A_64 = arith.select %gt3A_62, %scan3A_21, %add3A_59 : vector<16xi1>, vector<16xf32>
      %select_n3A_65 = arith.select %gt3A_62, %select_n3A, %scan3A_20 : vector<16xi1>, vector<16xf32>
      %select_n3A_66 = arith.select %gt3A_62, %add3A_59, %scan3A_21 : vector<16xi1>, vector<16xf32>
      %gt3A_67 = arith.cmpf ogt, %select_n3A_63, %scan3A_22 : vector<16xf32>
      %eq3A_68 = arith.cmpf oeq, %select_n3A_63, %scan3A_22 : vector<16xf32>
      %lt3A = arith.cmpf olt, %select_n3A_64, %scan3A_23 : vector<16xf32>
      %and3A_69 = arith.andi %eq3A_68, %lt3A : vector<16xi1>
      %or3A = arith.ori %gt3A_67, %and3A_69 : vector<16xi1>
      %select_n3A_70 = arith.select %or3A, %select_n3A_63, %scan3A_22 : vector<16xi1>, vector<16xf32>
      %select_n3A_71 = arith.select %or3A, %select_n3A_64, %scan3A_23 : vector<16xi1>, vector<16xf32>
      scf.yield %select_n3A_65, %select_n3A_66, %select_n3A_70, %select_n3A_71 : vector<16xf32>, vector<16xf32>, vector<16xf32>, vector<16xf32>
    }
    %scan3A_9 = arith.constant 80 : i32
    %while3A = arith.constant 3.000000e+38 : f32
    %while3A_10 = arith.constant 0xFF800000 : f32
    %while3A_11 = arith.constant 0 : i32
    %while3A_12 = arith.constant 0 : i32
    %while3A_13:6 = scf.while (%while3A_19 = %while3A_11, %while3A_20 = %while3A_12, %while3A_21 = %scan3A_8#0, %while3A_22 = %scan3A_8#1, %while3A_23 = %scan3A_8#2, %while3A_24 = %scan3A_8#3) : (i32, i32, vector<16xf32>, vector<16xf32>, vector<16xf32>, vector<16xf32>) -> (i32, i32, vector<16xf32>, vector<16xf32>, vector<16xf32>, vector<16xf32>) {
      %lt3A = arith.constant 100 : i32
      %lt3A_25 = arith.cmpi slt, %while3A_19, %lt3A : i32
      scf.condition(%lt3A_25) %while3A_19, %while3A_20, %while3A_21, %while3A_22, %while3A_23, %while3A_24 : i32, i32, vector<16xf32>, vector<16xf32>, vector<16xf32>, vector<16xf32>
    } do {
    ^bb0(%while3A_19: i32, %while3A_20: i32, %while3A_21: vector<16xf32>, %while3A_22: vector<16xf32>, %while3A_23: vector<16xf32>, %while3A_24: vector<16xf32>):
      %reduce_max3A = arith.constant true
      %reduce_max3A_25 = vector.broadcast %reduce_max3A : i1 to vector<16xi1>
      %reduce_max3A_26 = tpu.scan <max>, %while3A_21 masked %reduce_max3A_25 : vector<16xf32>, vector<16xi1> -> vector<16xf32>
      %reduce_max3A_27 = vector.extract %reduce_max3A_26[15] : f32 from vector<16xf32>
      %eq3A_28 = vector.broadcast %reduce_max3A_27 : f32 to vector<16xf32>
      %eq3A_29 = arith.cmpf oeq, %while3A_21, %eq3A_28 : vector<16xf32>
      %broadcast_in_dim3A_30 = vector.broadcast %while3A : f32 to vector<16xf32>
      %select_n3A = arith.select %eq3A_29, %while3A_22, %broadcast_in_dim3A_30 : vector<16xi1>, vector<16xf32>
      %reduce_min3A = arith.constant true
      %reduce_min3A_31 = vector.broadcast %reduce_min3A : i1 to vector<16xi1>
      %reduce_min3A_32 = tpu.scan <min>, %select_n3A masked %reduce_min3A_31 : vector<16xf32>, vector<16xi1> -> vector<16xf32>
      %reduce_min3A_33 = vector.extract %reduce_min3A_32[15] : f32 from vector<16xf32>
      %broadcast_in_dim3A_34 = vector.broadcast %reduce_max3A_27 : f32 to vector<16xf32>
      %broadcast_in_dim3A_35 = vector.broadcast %reduce_min3A_33 : f32 to vector<16xf32>
      %eq3A_36 = arith.cmpf oeq, %while3A_22, %broadcast_in_dim3A_35 : vector<16xf32>
      %select_n3A_37 = arith.select %eq3A_36, %while3A_23, %while3A_21 : vector<16xi1>, vector<16xf32>
      %select_n3A_38 = arith.select %eq3A_36, %while3A_24, %while3A_22 : vector<16xi1>, vector<16xf32>
      %reduce_max3A_39 = arith.constant true
      %reduce_max3A_40 = vector.broadcast %reduce_max3A_39 : i1 to vector<16xi1>
      %reduce_max3A_41 = tpu.scan <max>, %select_n3A_37 masked %reduce_max3A_40 : vector<16xf32>, vector<16xi1> -> vector<16xf32>
      %reduce_max3A_42 = vector.extract %reduce_max3A_41[15] : f32 from vector<16xf32>
      %eq3A_43 = vector.broadcast %reduce_max3A_42 : f32 to vector<16xf32>
      %eq3A_44 = arith.cmpf oeq, %select_n3A_37, %eq3A_43 : vector<16xf32>
      %broadcast_in_dim3A_45 = vector.broadcast %while3A : f32 to vector<16xf32>
      %select_n3A_46 = arith.select %eq3A_44, %select_n3A_38, %broadcast_in_dim3A_45 : vector<16xi1>, vector<16xf32>
      %reduce_min3A_47 = arith.constant true
      %reduce_min3A_48 = vector.broadcast %reduce_min3A_47 : i1 to vector<16xi1>
      %reduce_min3A_49 = tpu.scan <min>, %select_n3A_46 masked %reduce_min3A_48 : vector<16xf32>, vector<16xi1> -> vector<16xf32>
      %reduce_min3A_50 = vector.extract %reduce_min3A_49[15] : f32 from vector<16xf32>
      %broadcast_in_dim3A_51 = vector.broadcast %reduce_max3A_42 : f32 to vector<16xf32>
      %broadcast_in_dim3A_52 = vector.broadcast %reduce_min3A_50 : f32 to vector<16xf32>
      %sub3A = arith.subf %broadcast_in_dim3A_35, %convert_element_type3A_1 : vector<16xf32>
      %convert_element_type3A_53 = arith.fptosi %sub3A : vector<16xf32> to vector<16xi32>
      %sub3A_54 = arith.subf %broadcast_in_dim3A_52, %convert_element_type3A_1 : vector<16xf32>
      %convert_element_type3A_55 = arith.fptosi %sub3A_54 : vector<16xf32> to vector<16xi32>
      %eq3A_56 = arith.constant 0 : i32
      %eq3A_57 = vector.broadcast %eq3A_56 : i32 to vector<16xi32>
      %eq3A_58 = arith.cmpi eq, %iota3A, %eq3A_57 : vector<16xi32>
      %jit3A = arith.constant 0.000000e+00 : f32
      %broadcast_in_dim3A_59 = vector.broadcast %jit3A : f32 to vector<16xf32>
      %select_n3A_60 = arith.select %eq3A_58, %broadcast_in_dim3A_34, %broadcast_in_dim3A_59 : vector<16xi1>, vector<16xf32>
      %eq3A_61 = arith.constant 1 : i32
      %eq3A_62 = vector.broadcast %eq3A_61 : i32 to vector<16xi32>
      %eq3A_63 = arith.cmpi eq, %iota3A, %eq3A_62 : vector<16xi32>
      %select_n3A_64 = arith.select %eq3A_63, %broadcast_in_dim3A_35, %select_n3A_60 : vector<16xi1>, vector<16xf32>
      %eq3A_65 = arith.constant 2 : i32
      %eq3A_66 = vector.broadcast %eq3A_65 : i32 to vector<16xi32>
      %eq3A_67 = arith.cmpi eq, %iota3A, %eq3A_66 : vector<16xi32>
      %gather3A = tpu.vector_load_idx %arg8[%convert_element_type3A_53] : memref<1280xf32, #tpu.memory_space<vmem>>[vector<16xi32>], vector<16xf32>,
      %select_n3A_68 = arith.select %eq3A_67, %gather3A, %select_n3A_64 : vector<16xi1>, vector<16xf32>
      %eq3A_69 = arith.constant 3 : i32
      %eq3A_70 = vector.broadcast %eq3A_69 : i32 to vector<16xi32>
      %eq3A_71 = arith.cmpi eq, %iota3A, %eq3A_70 : vector<16xi32>
      %gather3A_72 = tpu.vector_load_idx %arg9[%convert_element_type3A_53] : memref<1280xf32, #tpu.memory_space<vmem>>[vector<16xi32>], vector<16xf32>,
      %select_n3A_73 = arith.select %eq3A_71, %gather3A_72, %select_n3A_68 : vector<16xi1>, vector<16xf32>
      %eq3A_74 = arith.constant 4 : i32
      %eq3A_75 = vector.broadcast %eq3A_74 : i32 to vector<16xi32>
      %eq3A_76 = arith.cmpi eq, %iota3A, %eq3A_75 : vector<16xi32>
      %gather3A_77 = tpu.vector_load_idx %arg10[%convert_element_type3A_53] : memref<1280xf32, #tpu.memory_space<vmem>>[vector<16xi32>], vector<16xf32>,
      %select_n3A_78 = arith.select %eq3A_76, %gather3A_77, %select_n3A_73 : vector<16xi1>, vector<16xf32>
      %eq3A_79 = arith.constant 5 : i32
      %eq3A_80 = vector.broadcast %eq3A_79 : i32 to vector<16xi32>
      %eq3A_81 = arith.cmpi eq, %iota3A, %eq3A_80 : vector<16xi32>
      %gather3A_82 = tpu.vector_load_idx %arg11[%convert_element_type3A_53] : memref<1280xf32, #tpu.memory_space<vmem>>[vector<16xi32>], vector<16xf32>,
      %select_n3A_83 = arith.select %eq3A_81, %gather3A_82, %select_n3A_78 : vector<16xi1>, vector<16xf32>
      %eq3A_84 = arith.constant 6 : i32
      %eq3A_85 = vector.broadcast %eq3A_84 : i32 to vector<16xi32>
      %eq3A_86 = arith.cmpi eq, %iota3A, %eq3A_85 : vector<16xi32>
      %gather3A_87 = tpu.vector_load_idx %arg12[%convert_element_type3A_53] : memref<1280xf32, #tpu.memory_space<vmem>>[vector<16xi32>], vector<16xf32>,
      %select_n3A_88 = arith.select %eq3A_86, %gather3A_87, %select_n3A_83 : vector<16xi1>, vector<16xf32>
      %eq3A_89 = arith.constant 7 : i32
      %eq3A_90 = vector.broadcast %eq3A_89 : i32 to vector<16xi32>
      %eq3A_91 = arith.cmpi eq, %iota3A, %eq3A_90 : vector<16xi32>
      %select_n3A_92 = arith.select %eq3A_91, %broadcast_in_dim3A_51, %select_n3A_88 : vector<16xi1>, vector<16xf32>
      %eq3A_93 = arith.constant 8 : i32
      %eq3A_94 = vector.broadcast %eq3A_93 : i32 to vector<16xi32>
      %eq3A_95 = arith.cmpi eq, %iota3A, %eq3A_94 : vector<16xi32>
      %select_n3A_96 = arith.select %eq3A_95, %broadcast_in_dim3A_52, %select_n3A_92 : vector<16xi1>, vector<16xf32>
      %eq3A_97 = arith.constant 9 : i32
      %eq3A_98 = vector.broadcast %eq3A_97 : i32 to vector<16xi32>
      %eq3A_99 = arith.cmpi eq, %iota3A, %eq3A_98 : vector<16xi32>
      %gather3A_100 = tpu.vector_load_idx %arg8[%convert_element_type3A_55] : memref<1280xf32, #tpu.memory_space<vmem>>[vector<16xi32>], vector<16xf32>,
      %select_n3A_101 = arith.select %eq3A_99, %gather3A_100, %select_n3A_96 : vector<16xi1>, vector<16xf32>
      %eq3A_102 = arith.constant 10 : i32
      %eq3A_103 = vector.broadcast %eq3A_102 : i32 to vector<16xi32>
      %eq3A_104 = arith.cmpi eq, %iota3A, %eq3A_103 : vector<16xi32>
      %gather3A_105 = tpu.vector_load_idx %arg9[%convert_element_type3A_55] : memref<1280xf32, #tpu.memory_space<vmem>>[vector<16xi32>], vector<16xf32>,
      %select_n3A_106 = arith.select %eq3A_104, %gather3A_105, %select_n3A_101 : vector<16xi1>, vector<16xf32>
      %eq3A_107 = arith.constant 11 : i32
      %eq3A_108 = vector.broadcast %eq3A_107 : i32 to vector<16xi32>
      %eq3A_109 = arith.cmpi eq, %iota3A, %eq3A_108 : vector<16xi32>
      %gather3A_110 = tpu.vector_load_idx %arg10[%convert_element_type3A_55] : memref<1280xf32, #tpu.memory_space<vmem>>[vector<16xi32>], vector<16xf32>,
      %select_n3A_111 = arith.select %eq3A_109, %gather3A_110, %select_n3A_106 : vector<16xi1>, vector<16xf32>
      %eq3A_112 = arith.constant 12 : i32
      %eq3A_113 = vector.broadcast %eq3A_112 : i32 to vector<16xi32>
      %eq3A_114 = arith.cmpi eq, %iota3A, %eq3A_113 : vector<16xi32>
      %gather3A_115 = tpu.vector_load_idx %arg11[%convert_element_type3A_55] : memref<1280xf32, #tpu.memory_space<vmem>>[vector<16xi32>], vector<16xf32>,
      %select_n3A_116 = arith.select %eq3A_114, %gather3A_115, %select_n3A_111 : vector<16xi1>, vector<16xf32>
      %eq3A_117 = arith.constant 13 : i32
      %eq3A_118 = vector.broadcast %eq3A_117 : i32 to vector<16xi32>
      %eq3A_119 = arith.cmpi eq, %iota3A, %eq3A_118 : vector<16xi32>
      %gather3A_120 = tpu.vector_load_idx %arg12[%convert_element_type3A_55] : memref<1280xf32, #tpu.memory_space<vmem>>[vector<16xi32>], vector<16xf32>,
      %select_n3A_121 = arith.select %eq3A_119, %gather3A_120, %select_n3A_116 : vector<16xi1>, vector<16xf32>
      %swap3A = arith.constant 0 : index
      %swap3A_122 = tpu.vector_load %arg18[%swap3A] {strides = array<i32>} : memref<16xf32, #tpu.memory_space<vmem>>, vector<16xf32>,
      tpu.vector_store %arg18[%swap3A], %select_n3A_121 {strides = array<i32>} : memref<16xf32, #tpu.memory_space<vmem>>, vector<16xf32>,
      %and3A_123 = arith.constant 1 : i32
      %and3A_124 = arith.andi %while3A_20, %and3A_123 : i32
      %mul3A_125 = arith.constant 256 : i32
      %mul3A_126 = arith.muli %and3A_124, %mul3A_125 : i32
      %mul3A_127 = arith.constant 16 : i32
      %mul3A_128 = arith.muli %arg1, %mul3A_127 : i32
      %add3A_129 = arith.addi %mul3A_126, %mul3A_128 : i32
      "tpu.region"() ({
        %run_scoped3A = tpu.sem_alloc : memref<!tpu.dma_semaphore, #tpu.memory_space<semaphore_mem>>
        %dma_start3A = tpu.memref_slice %arg16[%add3A_129] : memref<512xf32, #tpu.memory_space<vmem_shared>> -> memref<16xf32, #tpu.memory_space<vmem_shared>>
        %dma_start3A_440 = tpu.memref_slice %arg16[%add3A_129] : memref<512xf32, #tpu.memory_space<vmem_shared>> -> memref<16xf32, #tpu.memory_space<vmem_shared>>
        tpu.enqueue_dma source(%arg18 : memref<16xf32, #tpu.memory_space<vmem>>) target(%dma_start3A_440 : memref<16xf32, #tpu.memory_space<vmem_shared>>) target_semaphore(%run_scoped3A : memref<!tpu.dma_semaphore, #tpu.memory_space<semaphore_mem>>)
        %dma_wait3A = tpu.memref_slice %arg16[%add3A_129] : memref<512xf32, #tpu.memory_space<vmem_shared>> -> memref<16xf32, #tpu.memory_space<vmem_shared>>
        %dma_wait3A_441 = tpu.memref_slice %arg16[%add3A_129] : memref<512xf32, #tpu.memory_space<vmem_shared>> -> memref<16xf32, #tpu.memory_space<vmem_shared>>
        tpu.wait_dma2 semaphore(%run_scoped3A : memref<!tpu.dma_semaphore, #tpu.memory_space<semaphore_mem>>) src(%arg18 : memref<16xf32, #tpu.memory_space<vmem>>) dst(%dma_wait3A_441 : memref<16xf32, #tpu.memory_space<vmem_shared>>)
        tpu.yield
      }) : () -> ()
      %barrier3A = arith.constant 0 : index
      tpu.barrier barrier_id(%barrier3A)
      "tpu.region"() ({
        %run_scoped3A = tpu.sem_alloc : memref<!tpu.dma_semaphore, #tpu.memory_space<semaphore_mem>>
        %dma_start3A = tpu.memref_slice %arg16[%mul3A_126] : memref<512xf32, #tpu.memory_space<vmem_shared>> -> memref<256xf32, #tpu.memory_space<vmem_shared>>
        %dma_start3A_440 = tpu.memref_slice %arg16[%mul3A_126] : memref<512xf32, #tpu.memory_space<vmem_shared>> -> memref<256xf32, #tpu.memory_space<vmem_shared>>
        tpu.enqueue_dma source(%dma_start3A_440 : memref<256xf32, #tpu.memory_space<vmem_shared>>) target(%arg17 : memref<256xf32, #tpu.memory_space<vmem>>) target_semaphore(%run_scoped3A : memref<!tpu.dma_semaphore, #tpu.memory_space<semaphore_mem>>)
        %dma_wait3A = tpu.memref_slice %arg16[%mul3A_126] : memref<512xf32, #tpu.memory_space<vmem_shared>> -> memref<256xf32, #tpu.memory_space<vmem_shared>>
        %dma_wait3A_441 = tpu.memref_slice %arg16[%mul3A_126] : memref<512xf32, #tpu.memory_space<vmem_shared>> -> memref<256xf32, #tpu.memory_space<vmem_shared>>
        tpu.wait_dma2 semaphore(%run_scoped3A : memref<!tpu.dma_semaphore, #tpu.memory_space<semaphore_mem>>) src(%dma_wait3A_441 : memref<256xf32, #tpu.memory_space<vmem_shared>>) dst(%arg17 : memref<256xf32, #tpu.memory_space<vmem>>)
        tpu.yield
      }) : () -> ()
      %mul3A_130 = arith.constant 16 : i32
      %mul3A_131 = vector.broadcast %mul3A_130 : i32 to vector<16xi32>
      %mul3A_132 = arith.muli %iota3A, %mul3A_131 : vector<16xi32>
      %gather3A_133 = tpu.vector_load_idx %arg17[%mul3A_132] : memref<256xf32, #tpu.memory_space<vmem>>[vector<16xi32>], vector<16xf32>,
      %add3A_134 = arith.constant 1 : i32
      %add3A_135 = vector.broadcast %add3A_134 : i32 to vector<16xi32>
      %add3A_136 = arith.addi %mul3A_132, %add3A_135 : vector<16xi32>
      %gather3A_137 = tpu.vector_load_idx %arg17[%add3A_136] : memref<256xf32, #tpu.memory_space<vmem>>[vector<16xi32>], vector<16xf32>,
      %reduce_max3A_138 = arith.constant true
      %reduce_max3A_139 = vector.broadcast %reduce_max3A_138 : i1 to vector<16xi1>
      %reduce_max3A_140 = tpu.scan <max>, %gather3A_133 masked %reduce_max3A_139 : vector<16xf32>, vector<16xi1> -> vector<16xf32>
      %reduce_max3A_141 = vector.extract %reduce_max3A_140[15] : f32 from vector<16xf32>
      %eq3A_142 = vector.broadcast %reduce_max3A_141 : f32 to vector<16xf32>
      %eq3A_143 = arith.cmpf oeq, %gather3A_133, %eq3A_142 : vector<16xf32>
      %broadcast_in_dim3A_144 = vector.broadcast %while3A : f32 to vector<16xf32>
      %select_n3A_145 = arith.select %eq3A_143, %gather3A_137, %broadcast_in_dim3A_144 : vector<16xi1>, vector<16xf32>
      %reduce_min3A_146 = arith.constant true
      %reduce_min3A_147 = vector.broadcast %reduce_min3A_146 : i1 to vector<16xi1>
      %reduce_min3A_148 = tpu.scan <min>, %select_n3A_145 masked %reduce_min3A_147 : vector<16xf32>, vector<16xi1> -> vector<16xf32>
      %reduce_min3A_149 = vector.extract %reduce_min3A_148[15] : f32 from vector<16xf32>
      %broadcast_in_dim3A_150 = vector.broadcast %reduce_max3A_141 : f32 to vector<16xf32>
      %broadcast_in_dim3A_151 = vector.broadcast %reduce_min3A_149 : f32 to vector<16xf32>
      %convert_element_type3A_152 = arith.fptosi %broadcast_in_dim3A_151 : vector<16xf32> to vector<16xi32>
      %jit3A_153 = arith.constant 1280 : i32
      %div3A = vector.broadcast %jit3A_153 : i32 to vector<16xi32>
      %div3A_154 = arith.divsi %convert_element_type3A_152, %div3A : vector<16xi32>
      %sign3A = arith.constant 0 : i32
      %sign3A_155 = vector.broadcast %sign3A : i32 to vector<16xi32>
      %sign3A_156 = arith.cmpi sgt, %convert_element_type3A_152, %sign3A_155 : vector<16xi32>
      %sign3A_157 = arith.extui %sign3A_156 : vector<16xi1> to vector<16xi32>
      %sign3A_158 = arith.constant 0 : i32
      %sign3A_159 = vector.broadcast %sign3A_158 : i32 to vector<16xi32>
      %sign3A_160 = arith.cmpi slt, %convert_element_type3A_152, %sign3A_159 : vector<16xi32>
      %sign3A_161 = arith.extui %sign3A_160 : vector<16xi1> to vector<16xi32>
      %sign3A_162 = arith.subi %sign3A_157, %sign3A_161 : vector<16xi32>
      %sign3A_163 = arith.constant 0 : i32
      %sign3A_164 = arith.cmpi sgt, %jit3A_153, %sign3A_163 : i32
      %sign3A_165 = arith.extui %sign3A_164 : i1 to i32
      %sign3A_166 = arith.constant 0 : i32
      %sign3A_167 = arith.cmpi slt, %jit3A_153, %sign3A_166 : i32
      %sign3A_168 = arith.extui %sign3A_167 : i1 to i32
      %sign3A_169 = arith.subi %sign3A_165, %sign3A_168 : i32
      %ne3A = vector.broadcast %sign3A_169 : i32 to vector<16xi32>
      %ne3A_170 = arith.cmpi ne, %sign3A_162, %ne3A : vector<16xi32>
      %rem3A = vector.broadcast %jit3A_153 : i32 to vector<16xi32>
      %rem3A_171 = arith.remsi %convert_element_type3A_152, %rem3A : vector<16xi32>
      %ne3A_172 = arith.constant 0 : i32
      %ne3A_173 = vector.broadcast %ne3A_172 : i32 to vector<16xi32>
      %ne3A_174 = arith.cmpi ne, %rem3A_171, %ne3A_173 : vector<16xi32>
      %and3A_175 = arith.andi %ne3A_170, %ne3A_174 : vector<16xi1>
      %sub3A_176 = arith.constant 1 : i32
      %sub3A_177 = vector.broadcast %sub3A_176 : i32 to vector<16xi32>
      %sub3A_178 = arith.subi %div3A_154, %sub3A_177 : vector<16xi32>
      %select_n3A_179 = arith.select %and3A_175, %sub3A_178, %div3A_154 : vector<16xi1>, vector<16xi32>
      %mul3A_180 = arith.constant 16 : i32
      %mul3A_181 = vector.broadcast %mul3A_180 : i32 to vector<16xi32>
      %mul3A_182 = arith.muli %select_n3A_179, %mul3A_181 : vector<16xi32>
      %add3A_183 = arith.constant 2 : i32
      %add3A_184 = vector.broadcast %add3A_183 : i32 to vector<16xi32>
      %add3A_185 = arith.addi %mul3A_182, %add3A_184 : vector<16xi32>
      %gather3A_186 = tpu.vector_load_idx %arg17[%add3A_185] : memref<256xf32, #tpu.memory_space<vmem>>[vector<16xi32>], vector<16xf32>,
      %add3A_187 = arith.constant 3 : i32
      %add3A_188 = vector.broadcast %add3A_187 : i32 to vector<16xi32>
      %add3A_189 = arith.addi %mul3A_182, %add3A_188 : vector<16xi32>
      %gather3A_190 = tpu.vector_load_idx %arg17[%add3A_189] : memref<256xf32, #tpu.memory_space<vmem>>[vector<16xi32>], vector<16xf32>,
      %add3A_191 = arith.constant 4 : i32
      %add3A_192 = vector.broadcast %add3A_191 : i32 to vector<16xi32>
      %add3A_193 = arith.addi %mul3A_182, %add3A_192 : vector<16xi32>
      %gather3A_194 = tpu.vector_load_idx %arg17[%add3A_193] : memref<256xf32, #tpu.memory_space<vmem>>[vector<16xi32>], vector<16xf32>,
      %add3A_195 = arith.constant 5 : i32
      %add3A_196 = vector.broadcast %add3A_195 : i32 to vector<16xi32>
      %add3A_197 = arith.addi %mul3A_182, %add3A_196 : vector<16xi32>
      %gather3A_198 = tpu.vector_load_idx %arg17[%add3A_197] : memref<256xf32, #tpu.memory_space<vmem>>[vector<16xi32>], vector<16xf32>,
      %add3A_199 = arith.constant 6 : i32
      %add3A_200 = vector.broadcast %add3A_199 : i32 to vector<16xi32>
      %add3A_201 = arith.addi %mul3A_182, %add3A_200 : vector<16xi32>
      %gather3A_202 = tpu.vector_load_idx %arg17[%add3A_201] : memref<256xf32, #tpu.memory_space<vmem>>[vector<16xi32>], vector<16xf32>,
      %sub3A_203 = arith.subf %gather3A_194, %gather3A_186 : vector<16xf32>
      %max3A = arith.constant 0.000000e+00 : f32
      %max3A_204 = vector.broadcast %max3A : f32 to vector<16xf32>
      %max3A_205 = arith.maximumf %sub3A_203, %max3A_204 : vector<16xf32>
      %sub3A_206 = arith.subf %gather3A_198, %gather3A_190 : vector<16xf32>
      %max3A_207 = arith.constant 0.000000e+00 : f32
      %max3A_208 = vector.broadcast %max3A_207 : f32 to vector<16xf32>
      %max3A_209 = arith.maximumf %sub3A_206, %max3A_208 : vector<16xf32>
      %mul3A_210 = arith.mulf %max3A_205, %max3A_209 : vector<16xf32>
      %eq3A_211 = arith.cmpf oeq, %gather3A_137, %broadcast_in_dim3A_151 : vector<16xf32>
      %add3A_212 = arith.constant 7 : i32
      %add3A_213 = vector.broadcast %add3A_212 : i32 to vector<16xi32>
      %add3A_214 = arith.addi %mul3A_132, %add3A_213 : vector<16xi32>
      %gather3A_215 = tpu.vector_load_idx %arg17[%add3A_214] : memref<256xf32, #tpu.memory_space<vmem>>[vector<16xi32>], vector<16xf32>,
      %select_n3A_216 = arith.select %eq3A_211, %gather3A_215, %gather3A_133 : vector<16xi1>, vector<16xf32>
      %add3A_217 = arith.constant 8 : i32
      %add3A_218 = vector.broadcast %add3A_217 : i32 to vector<16xi32>
      %add3A_219 = arith.addi %mul3A_132, %add3A_218 : vector<16xi32>
      %gather3A_220 = tpu.vector_load_idx %arg17[%add3A_219] : memref<256xf32, #tpu.memory_space<vmem>>[vector<16xi32>], vector<16xf32>,
      %select_n3A_221 = arith.select %eq3A_211, %gather3A_220, %gather3A_137 : vector<16xi1>, vector<16xf32>
      %reduce_max3A_222 = arith.constant true
      %reduce_max3A_223 = vector.broadcast %reduce_max3A_222 : i1 to vector<16xi1>
      %reduce_max3A_224 = tpu.scan <max>, %select_n3A_216 masked %reduce_max3A_223 : vector<16xf32>, vector<16xi1> -> vector<16xf32>
      %reduce_max3A_225 = vector.extract %reduce_max3A_224[15] : f32 from vector<16xf32>
      %eq3A_226 = vector.broadcast %reduce_max3A_225 : f32 to vector<16xf32>
      %eq3A_227 = arith.cmpf oeq, %select_n3A_216, %eq3A_226 : vector<16xf32>
      %broadcast_in_dim3A_228 = vector.broadcast %while3A : f32 to vector<16xf32>
      %select_n3A_229 = arith.select %eq3A_227, %select_n3A_221, %broadcast_in_dim3A_228 : vector<16xi1>, vector<16xf32>
      %reduce_min3A_230 = arith.constant true
      %reduce_min3A_231 = vector.broadcast %reduce_min3A_230 : i1 to vector<16xi1>
      %reduce_min3A_232 = tpu.scan <min>, %select_n3A_229 masked %reduce_min3A_231 : vector<16xf32>, vector<16xi1> -> vector<16xf32>
      %reduce_min3A_233 = vector.extract %reduce_min3A_232[15] : f32 from vector<16xf32>
      %broadcast_in_dim3A_234 = vector.broadcast %reduce_max3A_225 : f32 to vector<16xf32>
      %broadcast_in_dim3A_235 = vector.broadcast %reduce_min3A_233 : f32 to vector<16xf32>
      %convert_element_type3A_236 = arith.fptosi %broadcast_in_dim3A_235 : vector<16xf32> to vector<16xi32>
      %jit3A_237 = arith.constant 1280 : i32
      %div3A_238 = vector.broadcast %jit3A_237 : i32 to vector<16xi32>
      %div3A_239 = arith.divsi %convert_element_type3A_236, %div3A_238 : vector<16xi32>
      %sign3A_240 = arith.constant 0 : i32
      %sign3A_241 = vector.broadcast %sign3A_240 : i32 to vector<16xi32>
      %sign3A_242 = arith.cmpi sgt, %convert_element_type3A_236, %sign3A_241 : vector<16xi32>
      %sign3A_243 = arith.extui %sign3A_242 : vector<16xi1> to vector<16xi32>
      %sign3A_244 = arith.constant 0 : i32
      %sign3A_245 = vector.broadcast %sign3A_244 : i32 to vector<16xi32>
      %sign3A_246 = arith.cmpi slt, %convert_element_type3A_236, %sign3A_245 : vector<16xi32>
      %sign3A_247 = arith.extui %sign3A_246 : vector<16xi1> to vector<16xi32>
      %sign3A_248 = arith.subi %sign3A_243, %sign3A_247 : vector<16xi32>
      %sign3A_249 = arith.constant 0 : i32
      %sign3A_250 = arith.cmpi sgt, %jit3A_237, %sign3A_249 : i32
      %sign3A_251 = arith.extui %sign3A_250 : i1 to i32
      %sign3A_252 = arith.constant 0 : i32
      %sign3A_253 = arith.cmpi slt, %jit3A_237, %sign3A_252 : i32
      %sign3A_254 = arith.extui %sign3A_253 : i1 to i32
      %sign3A_255 = arith.subi %sign3A_251, %sign3A_254 : i32
      %ne3A_256 = vector.broadcast %sign3A_255 : i32 to vector<16xi32>
      %ne3A_257 = arith.cmpi ne, %sign3A_248, %ne3A_256 : vector<16xi32>
      %rem3A_258 = vector.broadcast %jit3A_237 : i32 to vector<16xi32>
      %rem3A_259 = arith.remsi %convert_element_type3A_236, %rem3A_258 : vector<16xi32>
      %ne3A_260 = arith.constant 0 : i32
      %ne3A_261 = vector.broadcast %ne3A_260 : i32 to vector<16xi32>
      %ne3A_262 = arith.cmpi ne, %rem3A_259, %ne3A_261 : vector<16xi32>
      %and3A_263 = arith.andi %ne3A_257, %ne3A_262 : vector<16xi1>
      %sub3A_264 = arith.constant 1 : i32
      %sub3A_265 = vector.broadcast %sub3A_264 : i32 to vector<16xi32>
      %sub3A_266 = arith.subi %div3A_239, %sub3A_265 : vector<16xi32>
      %select_n3A_267 = arith.select %and3A_263, %sub3A_266, %div3A_239 : vector<16xi1>, vector<16xi32>
      %mul3A_268 = arith.constant 16 : i32
      %mul3A_269 = vector.broadcast %mul3A_268 : i32 to vector<16xi32>
      %mul3A_270 = arith.muli %select_n3A_267, %mul3A_269 : vector<16xi32>
      %add3A_271 = arith.constant 1 : i32
      %add3A_272 = vector.broadcast %add3A_271 : i32 to vector<16xi32>
      %add3A_273 = arith.addi %mul3A_270, %add3A_272 : vector<16xi32>
      %gather3A_274 = tpu.vector_load_idx %arg17[%add3A_273] : memref<256xf32, #tpu.memory_space<vmem>>[vector<16xi32>], vector<16xf32>,
      %eq3A_275 = arith.cmpf oeq, %gather3A_274, %broadcast_in_dim3A_235 : vector<16xf32>
      %jit3A_276 = arith.constant 2 : i32
      %jit3A_277 = arith.constant 9 : i32
      %broadcast_in_dim3A_278 = vector.broadcast %jit3A_276 : i32 to vector<16xi32>
      %broadcast_in_dim3A_279 = vector.broadcast %jit3A_277 : i32 to vector<16xi32>
      %select_n3A_280 = arith.select %eq3A_275, %broadcast_in_dim3A_278, %broadcast_in_dim3A_279 : vector<16xi1>, vector<16xi32>
      %add3A_281 = arith.addi %mul3A_270, %select_n3A_280 : vector<16xi32>
      %gather3A_282 = tpu.vector_load_idx %arg17[%add3A_281] : memref<256xf32, #tpu.memory_space<vmem>>[vector<16xi32>], vector<16xf32>,
      %add3A_283 = arith.addi %mul3A_270, %select_n3A_280 : vector<16xi32>
      %add3A_284 = arith.constant 1 : i32
      %add3A_285 = vector.broadcast %add3A_284 : i32 to vector<16xi32>
      %add3A_286 = arith.addi %add3A_283, %add3A_285 : vector<16xi32>
      %gather3A_287 = tpu.vector_load_idx %arg17[%add3A_286] : memref<256xf32, #tpu.memory_space<vmem>>[vector<16xi32>], vector<16xf32>,
      %add3A_288 = arith.addi %mul3A_270, %select_n3A_280 : vector<16xi32>
      %add3A_289 = arith.constant 2 : i32
      %add3A_290 = vector.broadcast %add3A_289 : i32 to vector<16xi32>
      %add3A_291 = arith.addi %add3A_288, %add3A_290 : vector<16xi32>
      %gather3A_292 = tpu.vector_load_idx %arg17[%add3A_291] : memref<256xf32, #tpu.memory_space<vmem>>[vector<16xi32>], vector<16xf32>,
      %add3A_293 = arith.addi %mul3A_270, %select_n3A_280 : vector<16xi32>
      %add3A_294 = arith.constant 3 : i32
      %add3A_295 = vector.broadcast %add3A_294 : i32 to vector<16xi32>
      %add3A_296 = arith.addi %add3A_293, %add3A_295 : vector<16xi32>
      %gather3A_297 = tpu.vector_load_idx %arg17[%add3A_296] : memref<256xf32, #tpu.memory_space<vmem>>[vector<16xi32>], vector<16xf32>,
      %add3A_298 = arith.addi %mul3A_270, %select_n3A_280 : vector<16xi32>
      %add3A_299 = arith.constant 4 : i32
      %add3A_300 = vector.broadcast %add3A_299 : i32 to vector<16xi32>
      %add3A_301 = arith.addi %add3A_298, %add3A_300 : vector<16xi32>
      %gather3A_302 = tpu.vector_load_idx %arg17[%add3A_301] : memref<256xf32, #tpu.memory_space<vmem>>[vector<16xi32>], vector<16xf32>,
      %sub3A_303 = arith.subf %gather3A_292, %gather3A_282 : vector<16xf32>
      %max3A_304 = arith.constant 0.000000e+00 : f32
      %max3A_305 = vector.broadcast %max3A_304 : f32 to vector<16xf32>
      %max3A_306 = arith.maximumf %sub3A_303, %max3A_305 : vector<16xf32>
      %sub3A_307 = arith.subf %gather3A_297, %gather3A_287 : vector<16xf32>
      %max3A_308 = arith.constant 0.000000e+00 : f32
      %max3A_309 = vector.broadcast %max3A_308 : f32 to vector<16xf32>
      %max3A_310 = arith.maximumf %sub3A_307, %max3A_309 : vector<16xf32>
      %mul3A_311 = arith.mulf %max3A_306, %max3A_310 : vector<16xf32>
      %max3A_312 = arith.maximumf %gather3A_282, %gather3A_186 : vector<16xf32>
      %max3A_313 = arith.maximumf %gather3A_287, %gather3A_190 : vector<16xf32>
      %min3A = arith.minimumf %gather3A_292, %gather3A_194 : vector<16xf32>
      %min3A_314 = arith.minimumf %gather3A_297, %gather3A_198 : vector<16xf32>
      %sub3A_315 = arith.subf %min3A, %max3A_312 : vector<16xf32>
      %max3A_316 = arith.constant 0.000000e+00 : f32
      %max3A_317 = vector.broadcast %max3A_316 : f32 to vector<16xf32>
      %max3A_318 = arith.maximumf %sub3A_315, %max3A_317 : vector<16xf32>
      %sub3A_319 = arith.subf %min3A_314, %max3A_313 : vector<16xf32>
      %max3A_320 = arith.constant 0.000000e+00 : f32
      %max3A_321 = vector.broadcast %max3A_320 : f32 to vector<16xf32>
      %max3A_322 = arith.maximumf %sub3A_319, %max3A_321 : vector<16xf32>
      %mul3A_323 = arith.mulf %max3A_318, %max3A_322 : vector<16xf32>
      %add3A_324 = arith.addf %mul3A_311, %mul3A_210 : vector<16xf32>
      %sub3A_325 = arith.subf %add3A_324, %mul3A_323 : vector<16xf32>
      %add3A_326 = arith.constant 9.99999993E-9 : f32
      %add3A_327 = vector.broadcast %add3A_326 : f32 to vector<16xf32>
      %add3A_328 = arith.addf %sub3A_325, %add3A_327 : vector<16xf32>
      %div3A_329 = arith.divf %mul3A_323, %add3A_328 : vector<16xf32>
      %gt3A = arith.constant 0.699999988 : f32
      %gt3A_330 = vector.broadcast %gt3A : f32 to vector<16xf32>
      %gt3A_331 = arith.cmpf ogt, %div3A_329, %gt3A_330 : vector<16xf32>
      %not3A = arith.constant dense<true> : vector<16xi1>
      %not3A_332 = arith.xori %gt3A_331, %not3A : vector<16xi1>
      %ne3A_333 = vector.broadcast %while3A_10 : f32 to vector<16xf32>
      %ne3A_334 = arith.cmpf one, %broadcast_in_dim3A_234, %ne3A_333 : vector<16xf32>
      %and3A_335 = arith.andi %not3A_332, %ne3A_334 : vector<16xi1>
      %scan3A_336 = arith.constant 0 : i32
      %scan3A_337 = arith.constant 40 : i32
      %scan3A_338 = arith.addi %scan3A_336, %scan3A_337 : i32
      %scan3A_339 = arith.constant 1 : i32
      %scan3A_340:8 = scf.for %scan3A_440 = %scan3A_336 to %scan3A_338 step %scan3A_339 iter_args(%scan3A_441 = %broadcast_in_dim3A_3, %scan3A_442 = %add3A, %scan3A_443 = %broadcast_in_dim3A_3, %scan3A_444 = %add3A, %scan3A_445 = %broadcast_in_dim3A_3, %scan3A_446 = %add3A, %scan3A_447 = %broadcast_in_dim3A_3, %scan3A_448 = %add3A) -> (vector<16xf32>, vector<16xf32>, vector<16xf32>, vector<16xf32>, vector<16xf32>, vector<16xf32>, vector<16xf32>, vector<16xf32>)  : i32 {
        %mul3A_449 = arith.constant 2 : i32
        %mul3A_450 = arith.muli %scan3A_440, %mul3A_449 : i32
        %mul3A_451 = arith.constant 16 : i32
        %mul3A_452 = arith.muli %mul3A_450, %mul3A_451 : i32
        %get3A_453 = arith.index_cast %mul3A_452 : i32 to index
        %get3A_454 = tpu.vector_load %arg8[%get3A_453] {strides = array<i32>} : memref<1280xf32, #tpu.memory_space<vmem>>, vector<16xf32>,
        %get3A_455 = arith.index_cast %mul3A_452 : i32 to index
        %get3A_456 = tpu.vector_load %arg9[%get3A_455] {strides = array<i32>} : memref<1280xf32, #tpu.memory_space<vmem>>, vector<16xf32>,
        %get3A_457 = arith.index_cast %mul3A_452 : i32 to index
        %get3A_458 = tpu.vector_load %arg10[%get3A_457] {strides = array<i32>} : memref<1280xf32, #tpu.memory_space<vmem>>, vector<16xf32>,
        %get3A_459 = arith.index_cast %mul3A_452 : i32 to index
        %get3A_460 = tpu.vector_load %arg11[%get3A_459] {strides = array<i32>} : memref<1280xf32, #tpu.memory_space<vmem>>, vector<16xf32>,
        %get3A_461 = arith.index_cast %mul3A_452 : i32 to index
        %get3A_462 = tpu.vector_load %arg13[%get3A_461] {strides = array<i32>} : memref<1280xf32, #tpu.memory_space<vmem>>, vector<16xf32>,
        %get3A_463 = arith.index_cast %mul3A_452 : i32 to index
        %get3A_464 = tpu.vector_load %arg15[%get3A_463] {strides = array<i32>} : memref<1280xf32, #tpu.memory_space<vmem>>, vector<16xf32>,
        %max3A_465 = arith.maximumf %get3A_454, %gather3A_186 : vector<16xf32>
        %max3A_466 = arith.maximumf %get3A_456, %gather3A_190 : vector<16xf32>
        %min3A_467 = arith.minimumf %get3A_458, %gather3A_194 : vector<16xf32>
        %min3A_468 = arith.minimumf %get3A_460, %gather3A_198 : vector<16xf32>
        %sub3A_469 = arith.subf %min3A_467, %max3A_465 : vector<16xf32>
        %max3A_470 = arith.constant 0.000000e+00 : f32
        %max3A_471 = vector.broadcast %max3A_470 : f32 to vector<16xf32>
        %max3A_472 = arith.maximumf %sub3A_469, %max3A_471 : vector<16xf32>
        %sub3A_473 = arith.subf %min3A_468, %max3A_466 : vector<16xf32>
        %max3A_474 = arith.constant 0.000000e+00 : f32
        %max3A_475 = vector.broadcast %max3A_474 : f32 to vector<16xf32>
        %max3A_476 = arith.maximumf %sub3A_473, %max3A_475 : vector<16xf32>
        %mul3A_477 = arith.mulf %max3A_472, %max3A_476 : vector<16xf32>
        %add3A_478 = arith.addf %get3A_462, %mul3A_210 : vector<16xf32>
        %sub3A_479 = arith.subf %add3A_478, %mul3A_477 : vector<16xf32>
        %add3A_480 = arith.constant 9.99999993E-9 : f32
        %add3A_481 = vector.broadcast %add3A_480 : f32 to vector<16xf32>
        %add3A_482 = arith.addf %sub3A_479, %add3A_481 : vector<16xf32>
        %div3A_483 = arith.divf %mul3A_477, %add3A_482 : vector<16xf32>
        %gt3A_484 = arith.constant 0.699999988 : f32
        %gt3A_485 = vector.broadcast %gt3A_484 : f32 to vector<16xf32>
        %gt3A_486 = arith.cmpf ogt, %div3A_483, %gt3A_485 : vector<16xf32>
        %max3A_487 = arith.maximumf %get3A_454, %gather3A_282 : vector<16xf32>
        %max3A_488 = arith.maximumf %get3A_456, %gather3A_287 : vector<16xf32>
        %min3A_489 = arith.minimumf %get3A_458, %gather3A_292 : vector<16xf32>
        %min3A_490 = arith.minimumf %get3A_460, %gather3A_297 : vector<16xf32>
        %sub3A_491 = arith.subf %min3A_489, %max3A_487 : vector<16xf32>
        %max3A_492 = arith.constant 0.000000e+00 : f32
        %max3A_493 = vector.broadcast %max3A_492 : f32 to vector<16xf32>
        %max3A_494 = arith.maximumf %sub3A_491, %max3A_493 : vector<16xf32>
        %sub3A_495 = arith.subf %min3A_490, %max3A_488 : vector<16xf32>
        %max3A_496 = arith.constant 0.000000e+00 : f32
        %max3A_497 = vector.broadcast %max3A_496 : f32 to vector<16xf32>
        %max3A_498 = arith.maximumf %sub3A_495, %max3A_497 : vector<16xf32>
        %mul3A_499 = arith.mulf %max3A_494, %max3A_498 : vector<16xf32>
        %add3A_500 = arith.addf %get3A_462, %mul3A_311 : vector<16xf32>
        %sub3A_501 = arith.subf %add3A_500, %mul3A_499 : vector<16xf32>
        %add3A_502 = arith.constant 9.99999993E-9 : f32
        %add3A_503 = vector.broadcast %add3A_502 : f32 to vector<16xf32>
        %add3A_504 = arith.addf %sub3A_501, %add3A_503 : vector<16xf32>
        %div3A_505 = arith.divf %mul3A_499, %add3A_504 : vector<16xf32>
        %gt3A_506 = arith.constant 0.699999988 : f32
        %gt3A_507 = vector.broadcast %gt3A_506 : f32 to vector<16xf32>
        %gt3A_508 = arith.cmpf ogt, %div3A_505, %gt3A_507 : vector<16xf32>
        %and3A_509 = arith.andi %and3A_335, %gt3A_508 : vector<16xi1>
        %or3A_510 = arith.ori %gt3A_486, %and3A_509 : vector<16xi1>
        %get3A_511 = arith.index_cast %mul3A_452 : i32 to index
        %get3A_512 = tpu.vector_load %arg14[%get3A_511] {strides = array<i32>} : memref<1280xf32, #tpu.memory_space<vmem>>, vector<16xf32>,
        %broadcast_in_dim3A_513 = vector.broadcast %while3A_10 : f32 to vector<16xf32>
        %select_n3A_514 = arith.select %or3A_510, %broadcast_in_dim3A_513, %get3A_512 : vector<16xi1>, vector<16xf32>
        %swap3A_515 = arith.index_cast %mul3A_452 : i32 to index
        %swap3A_516 = tpu.vector_load %arg14[%swap3A_515] {strides = array<i32>} : memref<1280xf32, #tpu.memory_space<vmem>>, vector<16xf32>,
        tpu.vector_store %arg14[%swap3A_515], %select_n3A_514 {strides = array<i32>} : memref<1280xf32, #tpu.memory_space<vmem>>, vector<16xf32>,
        %gt3A_517 = arith.cmpf ogt, %select_n3A_514, %scan3A_441 : vector<16xf32>
        %select_n3A_518 = arith.select %gt3A_517, %scan3A_441, %select_n3A_514 : vector<16xi1>, vector<16xf32>
        %select_n3A_519 = arith.select %gt3A_517, %scan3A_442, %get3A_464 : vector<16xi1>, vector<16xf32>
        %select_n3A_520 = arith.select %gt3A_517, %select_n3A_514, %scan3A_441 : vector<16xi1>, vector<16xf32>
        %select_n3A_521 = arith.select %gt3A_517, %get3A_464, %scan3A_442 : vector<16xi1>, vector<16xf32>
        %gt3A_522 = arith.cmpf ogt, %select_n3A_518, %scan3A_443 : vector<16xf32>
        %eq3A_523 = arith.cmpf oeq, %select_n3A_518, %scan3A_443 : vector<16xf32>
        %lt3A_524 = arith.cmpf olt, %select_n3A_519, %scan3A_444 : vector<16xf32>
        %and3A_525 = arith.andi %eq3A_523, %lt3A_524 : vector<16xi1>
        %or3A_526 = arith.ori %gt3A_522, %and3A_525 : vector<16xi1>
        %select_n3A_527 = arith.select %or3A_526, %select_n3A_518, %scan3A_443 : vector<16xi1>, vector<16xf32>
        %select_n3A_528 = arith.select %or3A_526, %select_n3A_519, %scan3A_444 : vector<16xi1>, vector<16xf32>
        %mul3A_529 = arith.constant 2 : i32
        %mul3A_530 = arith.muli %scan3A_440, %mul3A_529 : i32
        %mul3A_531 = arith.constant 16 : i32
        %mul3A_532 = arith.muli %mul3A_530, %mul3A_531 : i32
        %add3A_533 = arith.constant 16 : i32
        %add3A_534 = arith.addi %mul3A_532, %add3A_533 : i32
        %get3A_535 = arith.index_cast %add3A_534 : i32 to index
        %get3A_536 = tpu.vector_load %arg8[%get3A_535] {strides = array<i32>} : memref<1280xf32, #tpu.memory_space<vmem>>, vector<16xf32>,
        %get3A_537 = arith.index_cast %add3A_534 : i32 to index
        %get3A_538 = tpu.vector_load %arg9[%get3A_537] {strides = array<i32>} : memref<1280xf32, #tpu.memory_space<vmem>>, vector<16xf32>,
        %get3A_539 = arith.index_cast %add3A_534 : i32 to index
        %get3A_540 = tpu.vector_load %arg10[%get3A_539] {strides = array<i32>} : memref<1280xf32, #tpu.memory_space<vmem>>, vector<16xf32>,
        %get3A_541 = arith.index_cast %add3A_534 : i32 to index
        %get3A_542 = tpu.vector_load %arg11[%get3A_541] {strides = array<i32>} : memref<1280xf32, #tpu.memory_space<vmem>>, vector<16xf32>,
        %get3A_543 = arith.index_cast %add3A_534 : i32 to index
        %get3A_544 = tpu.vector_load %arg13[%get3A_543] {strides = array<i32>} : memref<1280xf32, #tpu.memory_space<vmem>>, vector<16xf32>,
        %get3A_545 = arith.index_cast %add3A_534 : i32 to index
        %get3A_546 = tpu.vector_load %arg15[%get3A_545] {strides = array<i32>} : memref<1280xf32, #tpu.memory_space<vmem>>, vector<16xf32>,
        %max3A_547 = arith.maximumf %get3A_536, %gather3A_186 : vector<16xf32>
        %max3A_548 = arith.maximumf %get3A_538, %gather3A_190 : vector<16xf32>
        %min3A_549 = arith.minimumf %get3A_540, %gather3A_194 : vector<16xf32>
        %min3A_550 = arith.minimumf %get3A_542, %gather3A_198 : vector<16xf32>
        %sub3A_551 = arith.subf %min3A_549, %max3A_547 : vector<16xf32>
        %max3A_552 = arith.constant 0.000000e+00 : f32
        %max3A_553 = vector.broadcast %max3A_552 : f32 to vector<16xf32>
        %max3A_554 = arith.maximumf %sub3A_551, %max3A_553 : vector<16xf32>
        %sub3A_555 = arith.subf %min3A_550, %max3A_548 : vector<16xf32>
        %max3A_556 = arith.constant 0.000000e+00 : f32
        %max3A_557 = vector.broadcast %max3A_556 : f32 to vector<16xf32>
        %max3A_558 = arith.maximumf %sub3A_555, %max3A_557 : vector<16xf32>
        %mul3A_559 = arith.mulf %max3A_554, %max3A_558 : vector<16xf32>
        %add3A_560 = arith.addf %get3A_544, %mul3A_210 : vector<16xf32>
        %sub3A_561 = arith.subf %add3A_560, %mul3A_559 : vector<16xf32>
        %add3A_562 = arith.constant 9.99999993E-9 : f32
        %add3A_563 = vector.broadcast %add3A_562 : f32 to vector<16xf32>
        %add3A_564 = arith.addf %sub3A_561, %add3A_563 : vector<16xf32>
        %div3A_565 = arith.divf %mul3A_559, %add3A_564 : vector<16xf32>
        %gt3A_566 = arith.constant 0.699999988 : f32
        %gt3A_567 = vector.broadcast %gt3A_566 : f32 to vector<16xf32>
        %gt3A_568 = arith.cmpf ogt, %div3A_565, %gt3A_567 : vector<16xf32>
        %max3A_569 = arith.maximumf %get3A_536, %gather3A_282 : vector<16xf32>
        %max3A_570 = arith.maximumf %get3A_538, %gather3A_287 : vector<16xf32>
        %min3A_571 = arith.minimumf %get3A_540, %gather3A_292 : vector<16xf32>
        %min3A_572 = arith.minimumf %get3A_542, %gather3A_297 : vector<16xf32>
        %sub3A_573 = arith.subf %min3A_571, %max3A_569 : vector<16xf32>
        %max3A_574 = arith.constant 0.000000e+00 : f32
        %max3A_575 = vector.broadcast %max3A_574 : f32 to vector<16xf32>
        %max3A_576 = arith.maximumf %sub3A_573, %max3A_575 : vector<16xf32>
        %sub3A_577 = arith.subf %min3A_572, %max3A_570 : vector<16xf32>
        %max3A_578 = arith.constant 0.000000e+00 : f32
        %max3A_579 = vector.broadcast %max3A_578 : f32 to vector<16xf32>
        %max3A_580 = arith.maximumf %sub3A_577, %max3A_579 : vector<16xf32>
        %mul3A_581 = arith.mulf %max3A_576, %max3A_580 : vector<16xf32>
        %add3A_582 = arith.addf %get3A_544, %mul3A_311 : vector<16xf32>
        %sub3A_583 = arith.subf %add3A_582, %mul3A_581 : vector<16xf32>
        %add3A_584 = arith.constant 9.99999993E-9 : f32
        %add3A_585 = vector.broadcast %add3A_584 : f32 to vector<16xf32>
        %add3A_586 = arith.addf %sub3A_583, %add3A_585 : vector<16xf32>
        %div3A_587 = arith.divf %mul3A_581, %add3A_586 : vector<16xf32>
        %gt3A_588 = arith.constant 0.699999988 : f32
        %gt3A_589 = vector.broadcast %gt3A_588 : f32 to vector<16xf32>
        %gt3A_590 = arith.cmpf ogt, %div3A_587, %gt3A_589 : vector<16xf32>
        %and3A_591 = arith.andi %and3A_335, %gt3A_590 : vector<16xi1>
        %or3A_592 = arith.ori %gt3A_568, %and3A_591 : vector<16xi1>
        %get3A_593 = arith.index_cast %add3A_534 : i32 to index
        %get3A_594 = tpu.vector_load %arg14[%get3A_593] {strides = array<i32>} : memref<1280xf32, #tpu.memory_space<vmem>>, vector<16xf32>,
        %broadcast_in_dim3A_595 = vector.broadcast %while3A_10 : f32 to vector<16xf32>
        %select_n3A_596 = arith.select %or3A_592, %broadcast_in_dim3A_595, %get3A_594 : vector<16xi1>, vector<16xf32>
        %swap3A_597 = arith.index_cast %add3A_534 : i32 to index
        %swap3A_598 = tpu.vector_load %arg14[%swap3A_597] {strides = array<i32>} : memref<1280xf32, #tpu.memory_space<vmem>>, vector<16xf32>,
        tpu.vector_store %arg14[%swap3A_597], %select_n3A_596 {strides = array<i32>} : memref<1280xf32, #tpu.memory_space<vmem>>, vector<16xf32>,
        %gt3A_599 = arith.cmpf ogt, %select_n3A_596, %scan3A_445 : vector<16xf32>
        %select_n3A_600 = arith.select %gt3A_599, %scan3A_445, %select_n3A_596 : vector<16xi1>, vector<16xf32>
        %select_n3A_601 = arith.select %gt3A_599, %scan3A_446, %get3A_546 : vector<16xi1>, vector<16xf32>
        %select_n3A_602 = arith.select %gt3A_599, %select_n3A_596, %scan3A_445 : vector<16xi1>, vector<16xf32>
        %select_n3A_603 = arith.select %gt3A_599, %get3A_546, %scan3A_446 : vector<16xi1>, vector<16xf32>
        %gt3A_604 = arith.cmpf ogt, %select_n3A_600, %scan3A_447 : vector<16xf32>
        %eq3A_605 = arith.cmpf oeq, %select_n3A_600, %scan3A_447 : vector<16xf32>
        %lt3A_606 = arith.cmpf olt, %select_n3A_601, %scan3A_448 : vector<16xf32>
        %and3A_607 = arith.andi %eq3A_605, %lt3A_606 : vector<16xi1>
        %or3A_608 = arith.ori %gt3A_604, %and3A_607 : vector<16xi1>
        %select_n3A_609 = arith.select %or3A_608, %select_n3A_600, %scan3A_447 : vector<16xi1>, vector<16xf32>
        %select_n3A_610 = arith.select %or3A_608, %select_n3A_601, %scan3A_448 : vector<16xi1>, vector<16xf32>
        scf.yield %select_n3A_520, %select_n3A_521, %select_n3A_527, %select_n3A_528, %select_n3A_602, %select_n3A_603, %select_n3A_609, %select_n3A_610 : vector<16xf32>, vector<16xf32>, vector<16xf32>, vector<16xf32>, vector<16xf32>, vector<16xf32>, vector<16xf32>, vector<16xf32>
      }
      %scan3A_341 = arith.constant 40 : i32
      %gt3A_342 = arith.cmpf ogt, %scan3A_340#4, %scan3A_340#0 : vector<16xf32>
      %select_n3A_343 = arith.select %gt3A_342, %scan3A_340#0, %scan3A_340#4 : vector<16xi1>, vector<16xf32>
      %select_n3A_344 = arith.select %gt3A_342, %scan3A_340#1, %scan3A_340#5 : vector<16xi1>, vector<16xf32>
      %select_n3A_345 = arith.select %gt3A_342, %scan3A_340#4, %scan3A_340#0 : vector<16xi1>, vector<16xf32>
      %select_n3A_346 = arith.select %gt3A_342, %scan3A_340#5, %scan3A_340#1 : vector<16xi1>, vector<16xf32>
      %gt3A_347 = arith.cmpf ogt, %select_n3A_343, %scan3A_340#2 : vector<16xf32>
      %eq3A_348 = arith.cmpf oeq, %select_n3A_343, %scan3A_340#2 : vector<16xf32>
      %lt3A = arith.cmpf olt, %select_n3A_344, %scan3A_340#3 : vector<16xf32>
      %and3A_349 = arith.andi %eq3A_348, %lt3A : vector<16xi1>
      %or3A = arith.ori %gt3A_347, %and3A_349 : vector<16xi1>
      %select_n3A_350 = arith.select %or3A, %select_n3A_343, %scan3A_340#2 : vector<16xi1>, vector<16xf32>
      %select_n3A_351 = arith.select %or3A, %select_n3A_344, %scan3A_340#3 : vector<16xi1>, vector<16xf32>
      %gt3A_352 = arith.cmpf ogt, %scan3A_340#6, %select_n3A_345 : vector<16xf32>
      %select_n3A_353 = arith.select %gt3A_352, %select_n3A_345, %scan3A_340#6 : vector<16xi1>, vector<16xf32>
      %select_n3A_354 = arith.select %gt3A_352, %select_n3A_346, %scan3A_340#7 : vector<16xi1>, vector<16xf32>
      %select_n3A_355 = arith.select %gt3A_352, %scan3A_340#6, %select_n3A_345 : vector<16xi1>, vector<16xf32>
      %select_n3A_356 = arith.select %gt3A_352, %scan3A_340#7, %select_n3A_346 : vector<16xi1>, vector<16xf32>
      %gt3A_357 = arith.cmpf ogt, %select_n3A_353, %select_n3A_350 : vector<16xf32>
      %eq3A_358 = arith.cmpf oeq, %select_n3A_353, %select_n3A_350 : vector<16xf32>
      %lt3A_359 = arith.cmpf olt, %select_n3A_354, %select_n3A_351 : vector<16xf32>
      %and3A_360 = arith.andi %eq3A_358, %lt3A_359 : vector<16xi1>
      %or3A_361 = arith.ori %gt3A_357, %and3A_360 : vector<16xi1>
      %select_n3A_362 = arith.select %or3A_361, %select_n3A_353, %select_n3A_350 : vector<16xi1>, vector<16xf32>
      %select_n3A_363 = arith.select %or3A_361, %select_n3A_354, %select_n3A_351 : vector<16xi1>, vector<16xf32>
      %eq3A_364 = arith.constant 0 : i32
      %eq3A_365 = vector.broadcast %eq3A_364 : i32 to vector<16xi32>
      %eq3A_366 = arith.cmpi eq, %iota3A, %eq3A_365 : vector<16xi32>
      %jit3A_367 = arith.constant 0.000000e+00 : f32
      %broadcast_in_dim3A_368 = vector.broadcast %jit3A_367 : f32 to vector<16xf32>
      %select_n3A_369 = arith.select %eq3A_366, %gather3A_186, %broadcast_in_dim3A_368 : vector<16xi1>, vector<16xf32>
      %eq3A_370 = arith.constant 1 : i32
      %eq3A_371 = vector.broadcast %eq3A_370 : i32 to vector<16xi32>
      %eq3A_372 = arith.cmpi eq, %iota3A, %eq3A_371 : vector<16xi32>
      %select_n3A_373 = arith.select %eq3A_372, %gather3A_190, %select_n3A_369 : vector<16xi1>, vector<16xf32>
      %eq3A_374 = arith.constant 2 : i32
      %eq3A_375 = vector.broadcast %eq3A_374 : i32 to vector<16xi32>
      %eq3A_376 = arith.cmpi eq, %iota3A, %eq3A_375 : vector<16xi32>
      %select_n3A_377 = arith.select %eq3A_376, %gather3A_194, %select_n3A_373 : vector<16xi1>, vector<16xf32>
      %eq3A_378 = arith.constant 3 : i32
      %eq3A_379 = vector.broadcast %eq3A_378 : i32 to vector<16xi32>
      %eq3A_380 = arith.cmpi eq, %iota3A, %eq3A_379 : vector<16xi32>
      %select_n3A_381 = arith.select %eq3A_380, %gather3A_198, %select_n3A_377 : vector<16xi1>, vector<16xf32>
      %eq3A_382 = arith.constant 4 : i32
      %eq3A_383 = vector.broadcast %eq3A_382 : i32 to vector<16xi32>
      %eq3A_384 = arith.cmpi eq, %iota3A, %eq3A_383 : vector<16xi32>
      %select_n3A_385 = arith.select %eq3A_384, %gather3A_202, %select_n3A_381 : vector<16xi1>, vector<16xf32>
      %broadcast_in_dim3A_386 = vector.broadcast %while3A_19 : i32 to vector<16xi32>
      %mul3A_387 = arith.constant 5 : i32
      %mul3A_388 = vector.broadcast %mul3A_387 : i32 to vector<16xi32>
      %mul3A_389 = arith.muli %broadcast_in_dim3A_386, %mul3A_388 : vector<16xi32>
      %add3A_390 = arith.addi %mul3A_389, %iota3A : vector<16xi32>
      %lt3A_391 = arith.constant 5 : i32
      %lt3A_392 = vector.broadcast %lt3A_391 : i32 to vector<16xi32>
      %lt3A_393 = arith.cmpi slt, %iota3A, %lt3A_392 : vector<16xi32>
      tpu.vector_store_idx %arg20[%add3A_390], %select_n3A_385 masked %lt3A_393 : memref<512xf32, #tpu.memory_space<vmem>>[vector<16xi32>], vector<16xf32>, vector<16xi1>
      %eq3A_394 = arith.constant 0 : i32
      %eq3A_395 = vector.broadcast %eq3A_394 : i32 to vector<16xi32>
      %eq3A_396 = arith.cmpi eq, %iota3A, %eq3A_395 : vector<16xi32>
      %jit3A_397 = arith.constant 0.000000e+00 : f32
      %broadcast_in_dim3A_398 = vector.broadcast %jit3A_397 : f32 to vector<16xf32>
      %select_n3A_399 = arith.select %eq3A_396, %gather3A_282, %broadcast_in_dim3A_398 : vector<16xi1>, vector<16xf32>
      %eq3A_400 = arith.constant 1 : i32
      %eq3A_401 = vector.broadcast %eq3A_400 : i32 to vector<16xi32>
      %eq3A_402 = arith.cmpi eq, %iota3A, %eq3A_401 : vector<16xi32>
      %select_n3A_403 = arith.select %eq3A_402, %gather3A_287, %select_n3A_399 : vector<16xi1>, vector<16xf32>
      %eq3A_404 = arith.constant 2 : i32
      %eq3A_405 = vector.broadcast %eq3A_404 : i32 to vector<16xi32>
      %eq3A_406 = arith.cmpi eq, %iota3A, %eq3A_405 : vector<16xi32>
      %select_n3A_407 = arith.select %eq3A_406, %gather3A_292, %select_n3A_403 : vector<16xi1>, vector<16xf32>
      %eq3A_408 = arith.constant 3 : i32
      %eq3A_409 = vector.broadcast %eq3A_408 : i32 to vector<16xi32>
      %eq3A_410 = arith.cmpi eq, %iota3A, %eq3A_409 : vector<16xi32>
      %select_n3A_411 = arith.select %eq3A_410, %gather3A_297, %select_n3A_407 : vector<16xi1>, vector<16xf32>
      %eq3A_412 = arith.constant 4 : i32
      %eq3A_413 = vector.broadcast %eq3A_412 : i32 to vector<16xi32>
      %eq3A_414 = arith.cmpi eq, %iota3A, %eq3A_413 : vector<16xi32>
      %select_n3A_415 = arith.select %eq3A_414, %gather3A_302, %select_n3A_411 : vector<16xi1>, vector<16xf32>
      %add3A_416 = arith.constant 1 : i32
      %add3A_417 = vector.broadcast %add3A_416 : i32 to vector<16xi32>
      %add3A_418 = arith.addi %broadcast_in_dim3A_386, %add3A_417 : vector<16xi32>
      %mul3A_419 = arith.constant 5 : i32
      %mul3A_420 = vector.broadcast %mul3A_419 : i32 to vector<16xi32>
      %mul3A_421 = arith.muli %add3A_418, %mul3A_420 : vector<16xi32>
      %add3A_422 = arith.addi %mul3A_421, %iota3A : vector<16xi32>
      %lt3A_423 = arith.constant 5 : i32
      %lt3A_424 = vector.broadcast %lt3A_423 : i32 to vector<16xi32>
      %lt3A_425 = arith.cmpi slt, %iota3A, %lt3A_424 : vector<16xi32>
      %and3A_426 = arith.andi %lt3A_425, %and3A_335 : vector<16xi1>
      tpu.vector_store_idx %arg20[%add3A_422], %select_n3A_415 masked %and3A_426 : memref<512xf32, #tpu.memory_space<vmem>>[vector<16xi32>], vector<16xf32>, vector<16xi1>
      %jit3A_427 = arith.constant 1 : i32
      %jit3A_428 = arith.constant 0 : i32
      %broadcast_in_dim3A_429 = vector.broadcast %jit3A_427 : i32 to vector<16xi32>
      %broadcast_in_dim3A_430 = vector.broadcast %jit3A_428 : i32 to vector<16xi32>
      %select_n3A_431 = arith.select %and3A_335, %broadcast_in_dim3A_429, %broadcast_in_dim3A_430 : vector<16xi1>, vector<16xi32>
      %swap3A_432 = arith.constant 0 : index
      %swap3A_433 = tpu.vector_load %arg19[%swap3A_432] {strides = array<i32>} : memref<16xi32, #tpu.memory_space<vmem>>, vector<16xi32>,
      tpu.vector_store %arg19[%swap3A_432], %select_n3A_431 {strides = array<i32>} : memref<16xi32, #tpu.memory_space<vmem>>, vector<16xi32>,
      %add3A_434 = arith.constant 1 : i32
      %add3A_435 = arith.addi %while3A_19, %add3A_434 : i32
      %get3A = arith.constant 0 : index
      %get3A_436 = tpu.vector_load %arg19[%get3A] {strides = array<i32>} : memref<16xi32, #tpu.memory_space<vmem>>, vector<16xi32>,
      %slice3A = vector.extract_strided_slice %get3A_436 {offsets = [0], sizes = [1], strides = [1]} : vector<16xi32> to vector<1xi32>
      %squeeze3A = vector.extract %slice3A[0] : i32 from vector<1xi32>
      %add3A_437 = arith.addi %add3A_435, %squeeze3A : i32
      %add3A_438 = arith.constant 1 : i32
      %add3A_439 = arith.addi %while3A_20, %add3A_438 : i32
      scf.yield %add3A_437, %add3A_439, %select_n3A_355, %select_n3A_356, %select_n3A_362, %select_n3A_363 : i32, i32, vector<16xf32>, vector<16xf32>, vector<16xf32>, vector<16xf32>
    }
    %eq3A = arith.constant 0 : i32
    %eq3A_14 = arith.cmpi eq, %arg1, %eq3A : i32
    %eq3A_15 = arith.constant 0 : i32
    %eq3A_16 = arith.cmpi eq, %arg0, %eq3A_15 : i32
    %and3A = arith.andi %eq3A_14, %eq3A_16 : i1
    %convert_element_type3A_17 = arith.extui %and3A : i1 to i32
    %cond3A = arith.constant 0 : i32
    %cond3A_18 = arith.cmpi ne, %convert_element_type3A_17, %cond3A : i32
    scf.if %cond3A_18 {
      "tpu.region"() ({
        %run_scoped3A = tpu.sem_alloc : memref<!tpu.dma_semaphore, #tpu.memory_space<semaphore_mem>>
        tpu.enqueue_dma source(%arg20 : memref<512xf32, #tpu.memory_space<vmem>>) target(%arg7 : memref<512xf32, #tpu.memory_space<hbm>>) target_semaphore(%run_scoped3A : memref<!tpu.dma_semaphore, #tpu.memory_space<semaphore_mem>>)
        tpu.wait_dma2 semaphore(%run_scoped3A : memref<!tpu.dma_semaphore, #tpu.memory_space<semaphore_mem>>) src(%arg20 : memref<512xf32, #tpu.memory_space<vmem>>) dst(%arg7 : memref<512xf32, #tpu.memory_space<hbm>>)
        tpu.yield
      }) : () -> ()
    } else {
    }
    return
  }
}

</mosaic_0001>

<sc_bundles>
// kernel: kernel.3.cloned.1.call-start
scs
__scs_entry_jumppad:
0x0: {  	(pc) =	sbr.rel $0x88, $3  }
0x1: {  	(tag) =	ssettag $0x0;
	lr =	simm.s32 $0x1  }
0x2: {  	[smem:$0x3F9F] =	sst lr;
	_ =	strace $0xD0000000  }
0x3: {  	_ = 	snop  }
0x4: {  	_ = 	snop  }
0x5: {  	_ = 	snop  }
0x6: {  	_ = 	snop  }
0x7: {  	_ = 	snop  }
__scs_overlays_trampoline_lowered:
0x8: {  	[smem:$0x3FAE] =	sst s0  }
0x9: {  	[smem:$0x3FAF] =	sst s1  }
0xa: {  	[smem:$0x3FB0] =	sst s2  }
0xb: {  	[smem:$0x3FB1] =	sst s3  }
0xc: {  	[smem:$0x3FB2] =	sst s4  }
0xd: {  	[smem:$0x3FB3] =	sst s5  }
0xe: {  	[smem:$0x3FB4] =	sst s6  }
0xf: {  	[smem:$0x3FB5] =	sst s7  }
0x10: {  	[smem:$0x3FB6] =	sst s8  }
0x11: {  	[smem:$0x3FB7] =	sst s9;
	s0 =	simm.s32 @!p0 $0x0  }
0x12: {  	s1 =	sld [smem:$0x3F9D];
	s0 =	simm.s32 @p0 $0x1  }
0x13: {  	[smem:$0x3FB8] =	sst s0;
	s0 =	simm.s32 @!p1 $0x0  }
0x14: {  	s2 =	sld [smem:$0x3F9C];
	s0 =	simm.s32 @p1 $0x1  }
0x15: {  	[smem:$0x3FB9] =	sst s0;
	s0 =	simm.s32 @!p2 $0x0  }
0x16: {  	s3 =	sld [smem:$0x3FDB];
	s0 =	simm.s32 @p2 $0x1  }
0x17: {  	s4 =	simm.s32 $0x1BF5;
	[smem:$0x3FBB] =	sst s0  }
0x18: {  	s0 =	sld [smem:$0x3F9E];
	_ =	swait.ge [sflag:s4], $0x0  }
0x19: {  	s7 =	sld [smem:$0x3F9F]  }
0x1a: {  	s8 =	sadd.s32 $0xFFFFE003, lr  }
0x1b: {  	s9 =	sadd.s32 $0xFFFFFEF7, lr;
	s5 =	simm.s32 $0xFFFFFFFF;
	p2 =	slt.u32 s8, $0xFFFFF086  }
0x1c: {  	p1 =	slt.u32 s9, $0xF7A;
	s5 =	simm.s32 @!p2 $0x0  }
0x1d: {  	s5 =	simm.s32 @p1 $0x1;
	p0 =	seq.s32 s7, s2  }
0x1e: {  	s7 =	smul.u32 @!p0 $0xF7A, s2;
	p2 =	seq.s32 @!p0 s5, $0x0  }
0x1f: {  	s9 =	smul.u32 $0xF7A, s1;
	s8 =	simm.s32 @!p0 $0x1BF5;
	p2 =	por !p2, p0  }
0x20: {  	[sflag:s8] =	ssyncset.s32 @!p0 $0xFFFFF086;
	s6 =	sadd.s32 @!p0 s3, s7;
	s7 =	simm.s32 @!p0 $0x108  }
0x21: {  	s3 =	sadd.s32 s3, s9;
	s6 =	sadd.s32 @!p0 $0x88, s6;
	s7 =	simm.s32 @p2 $0x1082  }
0x22: {  	[simem:s7], [sflag:s8] =	dma.local @!p0 [hbm:s6], $0xF7A  }
0x23: {  	s9 =	sor.u32 $0xD0000000, s2;
	s6 =	simm.s32 $0x108;
	_ =	swait.ge @!p0 [sflag:s8], $0x0  }
0x24: {  	s3 =	sadd.s32 $0x88, s3;
	s6 =	simm.s32 @!p1 $0x1082;
	[sflag:s4] =	ssyncset.s32 $0xFFFFF086  }
0x25: {  	[simem:s6], [sflag:s4] =	dma.local [hbm:s3], $0xF7A  }
0x26: {  	[smem:$0x3F9F] =	sst s1;
	(tag) =	ssettag s2;
	_ =	strace s9  }
0x27: {  	s1 =	sld [smem:$0x3FAF]  }
0x28: {  	s2 =	sld [smem:$0x3FB0]  }
0x29: {  	s4 =	sld [smem:$0x3FB2]  }
0x2a: {  	p0 =	seq.s32 s5, $0x0;
	s5 =	sld [smem:$0x3FB3]  }
0x2b: {  	s6 =	sld [smem:$0x3FB4]  }
0x2c: {  	s7 =	sld [smem:$0x3FB5]  }
0x2d: {  	s3 =	simm.s32 $0x108;
	s8 =	sld [smem:$0x3FB6]  }
0x2e: {  	s3 =	simm.s32 @!p0 $0x1082;
	s9 =	sld [smem:$0x3FB7]  }
0x2f: {  	lr =	sadd.s32 s0, s3;
	s0 =	sld [smem:$0x3FAE]  }
0x30: {  	s3 =	sld [smem:$0x3FB1]  }
0x31: {  	[smem:$0x3FBA] =	sst s10  }
0x32: {  	s10 =	sld [smem:$0x3FB8];
	_ =	sdelay $0x3  }
0x33: {  	p0 =	seq.s32 s10, $0x1;
	s10 =	sld [smem:$0x3FBA];
	_ =	sdelay $0x3  }
0x34: {  	[smem:$0x3FBA] =	sst s10  }
0x35: {  	s10 =	sld [smem:$0x3FB9];
	_ =	sdelay $0x3  }
0x36: {  	p1 =	seq.s32 s10, $0x1;
	s10 =	sld [smem:$0x3FBA];
	_ =	sdelay $0x3  }
0x37: {  	[smem:$0x3FBA] =	sst s10  }
0x38: {  	s10 =	sld [smem:$0x3FBB]  }
0x39: {  	_ = 	snop;
	(pc) =	sbr.ind lr, $3  }
0x3a: {  	_ = 	snop  }
0x3b: {  	_ = 	snop  }
0x3c: {  	p2 =	seq.s32 s10, $0x1;
	s10 =	sld [smem:$0x3FBA]  }
0x3d: {  	_ =	shalt  }
0x3e: {  	_ =	shalt  }
0x3f: {  	_ =	shalt  }
0x40: {  	_ =	shalt  }
0x41: {  	_ =	shalt  }
0x42: {  	_ =	shalt  }
0x43: {  	_ =	shalt  }
0x44: {  	_ =	shalt  }
0x45: {  	_ =	shalt  }
0x46: {  	_ =	shalt  }
0x47: {  	_ =	shalt  }
0x48: {  	_ =	shalt  }
0x49: {  	_ =	shalt  }
0x4a: {  	_ =	shalt  }
0x4b: {  	_ =	shalt  }
0x4c: {  	_ =	shalt  }
0x4d: {  	_ =	shalt  }
0x4e: {  	_ =	shalt  }
0x4f: {  	_ =	shalt  }
0x50: {  	_ =	shalt  }
0x51: {  	_ =	shalt  }
0x52: {  	_ =	shalt  }
0x53: {  	_ =	shalt  }
0x54: {  	_ =	shalt  }
0x55: {  	_ =	shalt  }
0x56: {  	_ =	shalt  }
0x57: {  	_ =	shalt  }
0x58: {  	_ =	shalt  }
0x59: {  	_ =	shalt  }
0x5a: {  	_ =	shalt  }
0x5b: {  	_ =	shalt  }
0x5c: {  	_ =	shalt  }
0x5d: {  	_ =	shalt  }
0x5e: {  	_ =	shalt  }
0x5f: {  	_ =	shalt  }
0x60: {  	_ =	shalt  }
0x61: {  	_ =	shalt  }
0x62: {  	_ =	shalt  }
0x63: {  	_ =	shalt  }
0x64: {  	_ =	shalt  }
0x65: {  	_ =	shalt  }
0x66: {  	_ =	shalt  }
0x67: {  	_ =	shalt  }
0x68: {  	_ =	shalt  }
0x69: {  	_ =	shalt  }
0x6a: {  	_ =	shalt  }
0x6b: {  	_ =	shalt  }
0x6c: {  	_ =	shalt  }
0x6d: {  	_ =	shalt  }
0x6e: {  	_ =	shalt  }
0x6f: {  	_ =	shalt  }
0x70: {  	_ =	shalt  }
0x71: {  	_ =	shalt  }
0x72: {  	_ =	shalt  }
0x73: {  	_ =	shalt  }
0x74: {  	_ =	shalt  }
0x75: {  	_ =	shalt  }
0x76: {  	_ =	shalt  }
0x77: {  	_ =	shalt  }
0x78: {  	_ =	shalt  }
0x79: {  	_ =	shalt  }
0x7a: {  	_ =	shalt  }
0x7b: {  	_ =	shalt  }
0x7c: {  	_ =	shalt  }
0x7d: {  	_ =	shalt  }
0x7e: {  	_ =	shalt  }
0x7f: {  	_ =	shalt  }
0x80: {  	_ =	shalt  }
0x81: {  	_ =	shalt  }
0x82: {  	_ =	shalt  }
0x83: {  	_ =	shalt  }
0x84: {  	_ =	shalt  }
0x85: {  	_ =	shalt  }
0x86: {  	_ =	shalt  }
0x87: {  	_ =	shalt  }
.Lfunc_end0:
.L_simem_size_0:
called_computation_lowered:
.L_overlay_start_0:
0x88: {  	s2 =	sld [smem:$0x3FD9]  }
0x89: {  	s3 =	sld [smem:$0x3FFE];
	_ =	sdelay $0x1  }
0x8a: {  	s1 =	srdreg.scid  }
0x8b: {  	s0 =	sand.u32 $0x1, s1  }
0x8c: {  	s17 =	sshll.u32 s0, $0xA;
	s2 =	sadd.s32 s3, s2  }
0x8d: {  	s2 =	sadd.s32 s2, s17  }
0x8e: {  	[smem:$0x3FC6] =	sst s2  }
0x8f: {  	_ = 	snop  }
0x90: {  	s2 =	sld [smem:$0x3FD0];
	(tm) =	ssettm $0x1  }
0x91: {  	s18 =	sld [smem:$0x3FFB];
	_ =	sdelay $0x3  }
0x92: {  	_ =	strace s18  }
0x93: {  	s3 =	sld [smem:$0x3FFC];
	_ =	sdelay $0x3  }
0x94: {  	_ =	strace s3  }
0x95: {  	s3 =	sld [smem:$0x3FFD];
	_ =	sdelay $0x3  }
0x96: {  	_ =	strace s3  }
0x97: {  	_ =	strace $0x8FFFFFFF  }
0x98: {  	s19 =	sld [smem:$0x3FDB];
	_ =	sdelay $0x1  }
0x99: {  	s4 =	simm.s32 $_scs_section_size  }
0x9a: {  	s5 =	simm.s32 $_size__tile_overlayer_lowered;
	s6 =	simm.s32 $_tile_overlayer_lowered  }
0x9b: {  	s22 =	simm.s32 $0x1BFF;
	s21 =	sshll.u32 s6, $0x1;
	s3 =	sadd.s32 s4, s19  }
0x9c: {  	s7 =	simm.s32 $0x0;
	s20 =	sshll.u32 s5, $0x1;
	s5 =	sadd.s32 s21, s3  }
0x9d: {  	[timem:s7], [sflag:s22] =	dma.local [hbm:s5], s20  }
0x9e: {  	_ =	swait.ge [sflag:s22], s20  }
0x9f: {  	s4 =	ssub.s32 $0x0, s20;
	[sflag:s22] =	ssyncset.done $0x0  }
0xa0: {  	[sflag:s22] =	ssyncadd.s32 s4;
	_ =	sdelay $0x1  }
0xa1: {  	s23 =	simm.s32 $0x1B8B  }
0xa2: {  	_ =	swait.ge [sflag:s23], $0x1  }
0xa3: {  	[sflag:s23] =	ssyncset.done $0x0  }
0xa4: {  	s25 =	simm.s32 $0x1B8E;
	s24 =	sld [smem:$0x3FFE];
	[sflag:s23] =	ssyncadd.s32 $0xFFFFFFFF  }
0xa5: {  	s26 =	simm.s32 $execute0_lowered;
	[smem:$0x3FD2] =	sst s25  }
0xa6: {  	s5 =	sshll.u32 s26, $0x1;
	_ =	strace $0x80000046;
	[dreg:$0x1] =	wrdreg $0xFFFFFFFF  }
0xa7: {  	s28 =	simm.s32 $_size_execute0_lowered;
	s3 =	sadd.s32 s3, s5;
	[dreg:$0x0] =	wrdreg $0x0  }
0xa8: {  	s5 =	sshll.u32 s28, $0x1;
	[dreg:$0x2] =	wrdreg s3  }
0xa9: {  	[dreg:$0x3] =	wrdreg s5  }
0xaa: {  	[dreg:$0x4] =	wrdreg $0xC0  }
0xab: {  	_ =	task [dreg:s7], $0x5FFFF  }
0xac: {  	[dreg:$0x1] =	wrdreg $0xFFFFFFFF  }
0xad: {  	[dreg:$0x0] =	wrdreg $0x60  }
0xae: {  	[dreg:$0x2] =	wrdreg s24  }
0xaf: {  	[dreg:$0x3] =	wrdreg s2  }
0xb0: {  	[dreg:$0x4] =	wrdreg $0x28000  }
0xb1: {  	[dreg:$0x5] =	wrdreg $0x9  }
0xb2: {  	_ =	task.clear_ibuf [dreg:s7], $0x6FFFF;
	_ =	strace $0x90000046  }
0xb3: {  	s29 =	simm.s32 $0x9;
	_ =	strace $0x80000048  }
0xb4: {  	_ =	swait.ge [sflag:s29], $0x1  }
0xb5: {  	[sflag:s29] =	ssyncadd.s32 $0xFFFFFFFF  }
0xb6: {  	_ =	strace $0x90000048  }
0xb7: {  	_ =	sfence  }
0xb8: {  	s30 =	sld [smem:$0x0];
	_ =	sdelay $0x2  }
0xb9: {  	s31 =	sshll.u32 s1, $0xD;
	s1 =	sshrl.u32 s1, $0x2  }
0xba: {  	s3 =	sand.u32 $0x4000, s31;
	s1 =	sadd.s32 s1, s30  }
0xbb: {  	s0 =	sor.u32 s3, s0;
	s1 =	sshll.u32 s1, $0x11  }
0xbc: {  	s0 =	sor.u32 s1, s0  }
0xbd: {  	s0 =	sadd.s32 $0x8F2B, s0  }
0xbe: {  	[sflag:s0] =	ssyncadd.remote.s32 $0x1  }
0xbf: {  	_ =	sfence.sel $0xFFFF  }
0xc0: {  	[dreg:$0x0] =	wrdreg $0xFFFFFFFF;
	(pc) =	sbr.abs _section_cstart, $3  }
0xc1: {  	[dreg:$0x1] =	wrdreg $0xFFFFFFFF  }
0xc2: {  	_ =	task.clear_ibuf [dreg:s7], $0x2FFFF;
	_ =	strace $0x9FFFFFFF  }
0xc3: {  	(tm) =	ssettm $0x7FFFFFFF  }
tec
execute0_lowered:
.L_overlay_start_1:
0x0: {  	(tag) =	ssettag $0x1  }
0x1: {  	v0 =	vimm.f32 $1.500000000e+01;
	vm0 =	vcmask $0x300  }
0x2: {  	v0 =	vsel vm0, $0x0, v0;
	vm0 =	vcmask $0x704  }
0x3: {  	vm2 =	vcmask $0xB08;
	v0 =	vsel vm0, $0x3F800000, v0  }
0x4: {  	vm0 =	vcmask $0xF0C;
	v0 =	vsel vm2, $0x40000000, v0  }
0x5: {  	vm4 =	vcmask $0x1310;
	v0 =	vsel vm0, $0x40400000, v0  }
0x6: {  	vm0 =	vcmask $0x1714;
	v0 =	vsel vm4, $0x40800000, v0  }
0x7: {  	vm6 =	vcmask $0x1B18;
	s5 =	stileid.u32;
	vm8 =	vcmask $0x2320;
	v0 =	vsel vm0, $0x40A00000, v0  }
0x8: {  	vm10 =	vcmask $0x2B28;
	s0 =	smul.u32 $0x500, s5;
	vm0 =	vcmask $0x1F1C;
	v0 =	vsel vm6, $0x40C00000, v0  }
0x9: {  	vm12 =	vcmask $0x3330;
	s1 =	rddreg [dreg:$0x0];
	s2 =	srdreg.scid;
	vm14 =	vcmask $0x3B38;
	v0 =	vsel vm0, $0x40E00000, v0  }
0xa: {  	s4 =	simm.s32 $0x0;
	s2 =	sand.u32 $0x1, s2;
	v1 =	vmov s0;
	s0 =	sshrl.u32 s0, $0x3;
	vm0 =	vcmask $0x2724;
	v0 =	vsel vm8, $0x41000000, v0  }
0xb: {  	v5 =	vimm.s32 $0xECA86420;
	vm15 =	vmmov $0x1;
	[smem:$0x7FF] =	sst s4;
	s3 =	ssub.s32 $0x2, s2;
	s0 =	sadd.s32 s1, s0;
	v0 =	vsel vm0, $0x41100000, v0  }
0xc: {  	v9 =	vimm.s32 $0x0;
	_ =	strace $0x80000047;
	s1 =	sadd.s32 $0xA00, s0;
	[dreg:$0x4] =	wrdreg s0;
	vm0 =	vcmask $0x2F2C;
	v2 =	vsel vm10, $0x41200000, v0  }
0xd: {  	v12 =	vimm.s32 $0x9;
	s25 =	sshrl.u32 s3, $0x1;
	s26 =	sadd.s32 $0x1400, s0;
	[dreg:$0x5] =	wrdreg s1;
	v0 =	vcvt.s32.f32 v1;
	v1 =	vsel vm0, $0x41300000, v2  }
.Ltmp0:
0xe: {  	v7 =	vunpack.c.l.s4.s8 v5;
	s28 =	sadd.s32 $0x1E00, s0;
	[dreg:$0x6] =	wrdreg s26;
	vm0 =	vcmask $0x3734;
	v2 =	vsel vm12, $0x41400000, v1;
	(pc) =	sbr.rel .LBB2_1-.Ltmp0, $4  }
0xf: {  	s3 =	ssub.s32 s3, s25;
	s0 =	sadd.s32 $0x2800, s0;
	[dreg:$0x7] =	wrdreg s28;
	v1 =	vbroadcast v0, $0x0;
	v4 =	vsel vm0, $0x41500000, v2;
	v2 =	vlaneseq.u32  }
0x10: {  	vm1 =	vmmov $0xff;
	s29 =	sshll.u32 s5, $0x6;
	s31 =	smax.u32 s3, $0x1;
	[dreg:$0x8] =	wrdreg s0;
	v3 =	vmul.u32 $0x10, v2;
	v4 =	vsel vm14, $0x41600000, v4  }
0x11: {  	s30 =	sor.u32 s2, s5;
	v7 =	vunpack.c.0.s8.s32 v7;
	[dreg:$0x9] =	wrdreg s31;
	s0 =	sshrl.u32 s29, $0x2;
	v8 =	vmul.u32 $0x2, v2;
	v5 =	vadd.f32 v4, v1  }
0x12: {  	s2 =	simm.s32 $0x0;
	p0 =	sne.s32 s30, $0x0;
	[dreg:$0xa] =	wrdreg s0;
	v6 =	vor.u32 $0x1, v3;
	v10 =	vor.u32 $0x7, v3;
	v11 =	vor.u32 $0x8, v3  }
.LBB2_13:
0x13: {  	s0 =	simm.s32 @!p0 $0x0;
	s1 =	simm.s32 @!p0 $0x2A20;
	s2 =	rddreg [dreg:$0x1]  }
0x14: {  	[hbm4b:s2+s0] =	stream.linear.scatter @!p0 [tilespmem:s1], [sflag:$0x1], $0x200, $0x38;
	[tilespmem:$0x2C20] =	vst v63  }
0x15: {  	s0 =	simm.s32 @!p0 $0x1  }
0x16: {  	_ =	swait.ge @!p0 [sflag:s0], $0x200  }
0x17: {  	s30 =	rddreg [dreg:$0xb]  }
0x18: {  	s31 =	rddreg [dreg:$0x9];
	s2 =	sadd.s32 $0x1, s30  }
0x19: {  	p1 =	sne.s32 s2, s31  }
.Ltmp1:
0x1a: {  	_ = 	snop;
	(pc) =	sbr.rel @!p1 .LBB2_14-.Ltmp1, $3  }
0x1b: {  	_ =	sdelay $0x1  }
0x1c: {  	[sflag:s0] =	ssyncset.done @!p0 $0x0  }
0x1d: {  	[sflag:s0] =	ssyncadd.s32 @!p0 $0xFFFFFE00  }
.LBB2_1:
0x1e: {  	[dreg:$0xb] =	wrdreg s2  }
0x1f: {  	s0 =	simm.s32 $0x0;
	s1 =	rddreg [dreg:$0x4];
	s22 =	simm.s32 $0x1  }
0x20: {  	[tilespmem:s0], [sflag:$0x1] =	stream.linear.gather [hbm4b:s1+s0], $0x500, $0x38;
	[tilespmem:$0x2C20] =	vst v63  }
0x21: {  	_ =	swait.ge [sflag:s22], $0x500  }
0x22: {  	[sflag:s22] =	ssyncset.done $0x0  }
0x23: {  	s3 =	simm.s32 $0x500;
	s23 =	rddreg [dreg:$0x5];
	[sflag:s22] =	ssyncadd.s32 $0xFFFFFB00  }
0x24: {  	[tilespmem:s3], [sflag:$0x1] =	stream.linear.gather [hbm4b:s23+s0], $0x500, $0x38;
	[tilespmem:$0x2C20] =	vst v63  }
0x25: {  	_ =	swait.ge [sflag:s22], $0x500  }
0x26: {  	[sflag:s22] =	ssyncset.done $0x0  }
0x27: {  	s25 =	simm.s32 $0xA00;
	s24 =	rddreg [dreg:$0x6];
	[sflag:s22] =	ssyncadd.s32 $0xFFFFFB00  }
0x28: {  	[tilespmem:s25], [sflag:$0x1] =	stream.linear.gather [hbm4b:s24+s0], $0x500, $0x38;
	[tilespmem:$0x2C20] =	vst v63  }
0x29: {  	_ =	swait.ge [sflag:s22], $0x500  }
0x2a: {  	[sflag:s22] =	ssyncset.done $0x0  }
0x2b: {  	s28 =	simm.s32 $0xF00;
	s26 =	rddreg [dreg:$0x7];
	[sflag:s22] =	ssyncadd.s32 $0xFFFFFB00  }
0x2c: {  	[tilespmem:s28], [sflag:$0x1] =	stream.linear.gather [hbm4b:s26+s0], $0x500, $0x38;
	[tilespmem:$0x2C20] =	vst v63  }
0x2d: {  	_ =	swait.ge [sflag:s22], $0x500  }
0x2e: {  	[sflag:s22] =	ssyncset.done $0x0  }
0x2f: {  	s30 =	simm.s32 $0x1400;
	s29 =	rddreg [dreg:$0x8];
	[sflag:s22] =	ssyncadd.s32 $0xFFFFFB00  }
0x30: {  	[tilespmem:s30], [sflag:$0x1] =	stream.linear.gather [hbm4b:s29+s0], $0x500, $0x38;
	[tilespmem:$0x2C20] =	vst v63  }
0x31: {  	_ =	swait.ge [sflag:s22], $0x500  }
0x32: {  	[sflag:s22] =	ssyncset.done $0x0  }
0x33: {  	s31 =	simm.s32 $0x0;
	[sflag:s22] =	ssyncadd.s32 $0xFFFFFB00  }
0x34: {  	v13 =	vld [tilespmem:s31+$0x500]  }
0x35: {  	v14 =	vld [tilespmem:s31+$0x0]  }
0x36: {  	v15 =	vld [tilespmem:s31+$0xF00]  }
0x37: {  	v17 =	vmov s0;
	s0 =	simm.s32 $0x10;
	v16 =	vld [tilespmem:s31+$0xA00]  }
0x38: {  	v22 =	vld [tilespmem:s0+$0x500]  }
0x39: {  	v17 =	vcvt.s32.f32 v17;
	_ =	sdelay $0x1  }
0x3a: {  	v17 =	vadd.f32 v17, v0;
	v19 =	vld [tilespmem:s31+$0x1400];
	v18 =	vadd.f32 $1.000000000e+00, v13  }
0x3b: {  	v20 =	vadd.f32 $1.000000000e+00, v14;
	v21 =	vsub.f32 v15, v13  }
0x3c: {  	v14 =	vsub.f32 v16, v14;
	v13 =	vld [tilespmem:s0+$0x0];
	v24 =	vadd.f32 $1.000000000e+00, v22  }
0x3d: {  	vm3 =	vgt.f32 v15, v18;
	vm5 =	vgt.f32 v16, v20;
	v15 =	vbroadcast v17, $0x0;
	v17 =	vld [tilespmem:s0+$0xF00]  }
0x3e: {  	v18 =	vmax.f32 v14, $0.0e+00;
	v20 =	vmax.f32 v21, $0.0e+00;
	v16 =	vld [tilespmem:s0+$0xA00];
	vm3 =	vmand vm5, vm3  }
0x3f: {  	s1 =	simm.s32 $0x10;
	v14 =	vimm.f32 $-Inf;
	v21 =	vmul.f32 v20, v18;
	v19 =	vnsel vm3, $0xFF800000, v19  }
0x40: {  	v18 =	vadd.f32 v4, v15;
	v15 =	vmov s1;
	vm3 =	vgt.f32 v19, v14  }
0x41: {  	[tilespmem:s31+$0x1E00] =	vst v19;
	v23 =	vcvt.s32.f32 v15;
	v15 =	vadd.f32 $1.000000000e+00, v13;
	v20 =	vsel vm3, v14, v19  }
0x42: {  	[tilespmem:s31+$0x1900] =	vst v21;
	vm7 =	vgt.f32 v20, v14;
	vm11 =	veq.f32 v20, v14;
	v21 =	vsub.f32 v17, v22  }
0x43: {  	[tilespmem:s31+$0x2300] =	vst v18;
	vm5 =	vgt.f32 v17, v24;
	v24 =	vsel vm3, v5, v18;
	vm9 =	vgt.f32 v16, v15  }
0x44: {  	s2 =	simm.s32 $0x80;
	v22 =	vld [tilespmem:s0+$0x1400];
	v15 =	vsel vm3, v19, v14;
	v19 =	vmovc v5;
	v17 =	vmov v5;
	vm13 =	vlt.f32 v24, v5  }
.LBB2_2:
0x45: {  	s3 =	sshra.s32 s2, $0x2;
	p1 =	sne.s32 s2, $0x13C0;
	s2 =	sadd.s32 $0x40, s2;
	v23 =	vadd.f32 v23, v0;
	v19 =	vsel vm3, v18, v19;
	vm3 =	vmand vm11, vm13  }
0x46: {  	v16 =	vsub.f32 v16, v13;
	v25 =	vld [tilespmem:s3+$0x500];
	vm3 =	vmor vm7, vm3  }
0x47: {  	v13 =	vld [tilespmem:s3+$0x0];
	v18 =	vbroadcast v23, $0x0;
	v14 =	vsel vm3, v20, v14;
	v17 =	vsel vm3, v24, v17  }
0x48: {  	v21 =	vmax.f32 v21, $0.0e+00;
	v20 =	vmax.f32 v16, $0.0e+00;
	vm3 =	vmand vm9, vm5;
	v24 =	vld [tilespmem:s3+$0xF00]  }
0x49: {  	s1 =	sadd.s32 $0x10, s1;
	v20 =	vmul.f32 v21, v20;
	v16 =	vld [tilespmem:s3+$0xA00];
	v26 =	vnsel vm3, $0xFF800000, v22;
	v18 =	vadd.f32 v4, v18  }
.Ltmp2:
0x4a: {  	v21 =	vmov s1;
	[tilespmem:s0+$0x1E00] =	vst v26;
	vm3 =	vgt.f32 v26, v15;
	(pc) =	sbr.rel @p1 .LBB2_2-.Ltmp2, $4  }
0x4b: {  	v23 =	vcvt.s32.f32 v21;
	v22 =	vadd.f32 $1.000000000e+00, v25;
	[tilespmem:s0+$0x1900] =	vst v20;
	v20 =	vsel vm3, v15, v26  }
0x4c: {  	v27 =	vadd.f32 $1.000000000e+00, v13;
	[tilespmem:s0+$0x2300] =	vst v18;
	vm7 =	vgt.f32 v20, v14;
	vm11 =	veq.f32 v20, v14;
	s0 =	smov.u32 s3  }
0x4d: {  	v21 =	vsub.f32 v24, v25;
	vm5 =	vgt.f32 v24, v22;
	v24 =	vsel vm3, v19, v18  }
0x4e: {  	v15 =	vsel vm3, v26, v15;
	v22 =	vld [tilespmem:s0+$0x1400];
	vm9 =	vgt.f32 v16, v27;
	vm13 =	vlt.f32 v24, v17  }
0x4f: {  	v23 =	vadd.f32 v23, v0;
	_ =	sdelay $0x1  }
0x50: {  	v18 =	vsel vm3, v18, v19;
	vm3 =	vmand vm11, vm13;
	v19 =	vbroadcast v23, $0x0  }
0x51: {  	v13 =	vsub.f32 v16, v13;
	vm5 =	vmand vm9, vm5;
	vm3 =	vmor vm7, vm3  }
0x52: {  	v16 =	vsel vm3, v20, v14;
	v14 =	vnsel vm5, $0xFF800000, v22;
	v19 =	vadd.f32 v4, v19  }
0x53: {  	v61 =	vmax.f32 v21, $0.0e+00;
	v17 =	vsel vm3, v24, v17;
	vm3 =	vgt.f32 v14, v15  }
0x54: {  	v13 =	vmax.f32 v13, $0.0e+00;
	v62 =	vsel vm3, v15, v14;
	v63 =	vsel vm3, v18, v19  }
0x55: {  	v13 =	vmul.f32 v61, v13;
	vm5 =	veq.f32 v62, v16;
	vm7 =	vlt.f32 v63, v17  }
0x56: {  	[tilespmem:s0+$0x1E00] =	vst v14;
	vm9 =	vgt.f32 v62, v16;
	vm5 =	vmand vm5, vm7  }
0x57: {  	[tilespmem:s0+$0x1900] =	vst v13;
	v13 =	vsel vm3, v14, v15;
	vm5 =	vmor vm9, vm5  }
0x58: {  	s5 =	simm.s32 $0x0;
	[tilespmem:s0+$0x2300] =	vst v19;
	v14 =	vsel vm3, v19, v18;
	s0 =	simm.s32 $0x0;
	v16 =	vsel vm5, v62, v16;
	v15 =	vsel vm5, v63, v17  }
.LBB2_4:
0x59: {  	(xrf0) =	vmax.scan.msk.f32 $0xffff, v13;
	_ =	sdelay $0x5  }
0x5a: {  	v17, _, _ =	vpop (xrf0)  }
0x5b: {  	v17 =	vbroadcast v17, $0xF;
	_ =	sdelay $0x1  }
0x5c: {  	vm3 =	veq.f32 v13, v17  }
0x5d: {  	v18 =	vnsel vm3, $0x7F61B1E6, v14  }
0x5e: {  	(xrf0) =	vmin.scan.msk.f32 $0xffff, v18;
	_ =	sdelay $0x5  }
0x5f: {  	v18, _, _ =	vpop (xrf0)  }
0x60: {  	v18 =	vbroadcast v18, $0xF;
	_ =	sdelay $0x1  }
0x61: {  	vm3 =	veq.f32 v14, v18  }
0x62: {  	v13 =	vsel vm3, v16, v13  }
0x63: {  	(xrf0) =	vmax.scan.msk.f32 $0xffff, v13;
	_ =	sdelay $0x5  }
0x64: {  	v16, _, _ =	vpop (xrf0)  }
0x65: {  	v16 =	vbroadcast v16, $0xF;
	_ =	sdelay $0x1  }
0x66: {  	v14 =	vsel vm3, v15, v14;
	vm3 =	veq.f32 v13, v16  }
0x67: {  	v13 =	vnsel vm3, $0x7F61B1E6, v14  }
0x68: {  	(xrf0) =	vmin.scan.msk.f32 $0xffff, v13;
	_ =	sdelay $0x1  }
0x69: {  	v13 =	vsub.f32 v18, v1;
	_ =	sdelay $0x1  }
0x6a: {  	v13 =	vtrunc.f32 v13  }
0x6b: {  	v13 =	vcvt.f32.s32 v13  }
0x6c: {  	v14, _, _ =	vpop (xrf0)  }
0x6d: {  	v14 =	vbroadcast v14, $0xF;
	_ =	sdelay $0x1  }
0x6e: {  	v15 =	vsub.f32 v14, v1  }
0x6f: {  	s4 =	simm.s32 $0x0  }
0x70: {  	s31 =	simm.s32 $0x500;
	v19 =	vld.idx.msk [tilespmem:v13+s4+$0x0], $0xffff;
	v15 =	vtrunc.f32 v15  }
0x71: {  	s1 =	simm.s32 $0xA00;
	v20 =	vld.idx.msk [tilespmem:v13+s31+$0x0], $0xffff;
	v15 =	vcvt.f32.s32 v15  }
0x72: {  	s2 =	simm.s32 $0xF00;
	v21 =	vld.idx.msk [tilespmem:v13+s1+$0x0], $0xffff  }
0x73: {  	vm0 =	vcmask $0x338;
	s3 =	simm.s32 $0x1400;
	v17 =	vnsel vm15, $0x0, v17;
	v22 =	vld.idx.msk [tilespmem:v13+s2+$0x0], $0xffff  }
0x74: {  	v17 =	vsel vm0, v17, v18;
	vm0 =	vcmask $0x738;
	v13 =	vld.idx.msk [tilespmem:v13+s3+$0x0], $0xffff  }
0x75: {  	v17 =	vsel vm0, v17, v19;
	vm0 =	vcmask $0xB38  }
0x76: {  	v17 =	vsel vm0, v17, v20;
	vm0 =	vcmask $0xF38  }
0x77: {  	v17 =	vsel vm0, v17, v21;
	vm0 =	vcmask $0x1338;
	v18 =	vld.idx.msk [tilespmem:v15+s4+$0x0], $0xffff  }
0x78: {  	v17 =	vsel vm0, v17, v22;
	vm0 =	vcmask $0x1738;
	v19 =	vld.idx.msk [tilespmem:v15+s31+$0x0], $0xffff  }
0x79: {  	v13 =	vsel vm0, v17, v13;
	v17 =	vld.idx.msk [tilespmem:v15+s1+$0x0], $0xffff;
	vm0 =	vcmask $0x1B38  }
0x7a: {  	v13 =	vsel vm0, v13, v16;
	v16 =	vld.idx.msk [tilespmem:v15+s2+$0x0], $0xffff;
	vm0 =	vcmask $0x1F38  }
0x7b: {  	v13 =	vsel vm0, v13, v14;
	v14 =	vld.idx.msk [tilespmem:v15+s3+$0x0], $0xffff;
	vm0 =	vcmask $0x2338  }
0x7c: {  	v13 =	vsel vm0, v13, v18;
	vm0 =	vcmask $0x2738  }
0x7d: {  	[dreg:$0xd] =	wrdreg s0;
	v13 =	vsel vm0, v13, v19;
	vm0 =	vcmask $0x2B38  }
0x7e: {  	[dreg:$0xc] =	wrdreg s5;
	s2 =	sshll.u32 s5, $0x8;
	v13 =	vsel vm0, v13, v17;
	vm0 =	vcmask $0x2F38  }
0x7f: {  	s0 =	sand.u32 $0x100, s2;
	s3 =	rddreg [dreg:$0x2];
	v13 =	vsel vm0, v13, v16;
	vm0 =	vcmask $0x3338  }
0x80: {  	s4 =	rddreg [dreg:$0xa];
	s0 =	sadd.s32 s0, s3;
	v13 =	vsel vm0, v13, v14  }
0x81: {  	s6 =	simm.s32 $0x1;
	s5 =	simm.s32 $0x2920;
	s1 =	sadd.s32 s4, s0;
	[tilespmem:$0x2920] =	vst v13  }
0x82: {  	[spmem:s1] =	stream.linear.scatter [tilespmem:s5], [sflag:$0x1], $0x10, $0x38;
	[tilespmem:$0x2C20] =	vst v63  }
0x83: {  	_ =	swait.ge [sflag:s6], $0x10  }
0x84: {  	[sflag:s6] =	ssyncset.done $0x0  }
0x85: {  	[sflag:s6] =	ssyncadd.s32 $0xFFFFFFF0  }
0x86: {  	s7 =	simm.s32 $0x2820;
	[bflag:$0x0] =	sbarrier.arrive $0xFFFF  }
0x87: {  	[tilespmem:s7], [sflag:$0x1] =	stream.linear.gather [spmem:s0], $0x100, $0x38;
	[tilespmem:$0x2C20] =	vst v63  }
0x88: {  	_ =	swait.ge [sflag:s6], $0x100  }
0x89: {  	[sflag:s6] =	ssyncset.done $0x0  }
0x8a: {  	[sflag:s6] =	ssyncadd.s32 $0xFFFFFF00  }
0x8b: {  	v14 =	vld.idx.msk [tilespmem:v3+s7+$0x0], $0xffff;
	_ =	sdelay $0x4  }
0x8c: {  	(xrf0) =	vmax.scan.msk.f32 $0xffff, v14;
	_ =	sdelay $0x4  }
0x8d: {  	v15 =	vld.idx.msk [tilespmem:v6+s7+$0x0], $0xffff  }
0x8e: {  	v13, _, _ =	vpop (xrf0)  }
0x8f: {  	v13 =	vbroadcast v13, $0xF;
	_ =	sdelay $0x1  }
0x90: {  	vm3 =	veq.f32 v14, v13  }
0x91: {  	v13 =	vnsel vm3, $0x7F61B1E6, v15  }
0x92: {  	(xrf0) =	vmin.scan.msk.f32 $0xffff, v13;
	_ =	sdelay $0x5  }
0x93: {  	v13, _, _ =	vpop (xrf0)  }
0x94: {  	v16 =	vbroadcast v13, $0xF;
	_ =	sdelay $0x1  }
0x95: {  	v13 =	vtrunc.f32 v16  }
0x96: {  	v13 =	vcvt.f32.s32 v13;
	_ =	sdelay $0x1  }
0x97: {  	(v2sf) =	vpush v13, $0xD;
	_ =	sdelay $0x1  }
0x98: {  	(v2sf) =	vpush v13, $0xC;
	_ =	sdelay $0x1  }
0x99: {  	(v2sf) =	vpush v13, $0xE  }
0x9a: {  	v17 =	vld.idx.msk [tilespmem:v10+s7+$0x0], $0xffff  }
0x9b: {  	(v2sf) =	vpush v13, $0xF;
	_ =	sdelay $0x1  }
0x9c: {  	(v2sf) =	vpush v13, $0x9  }
0x9d: {  	vm3 =	veq.f32 v15, v16  }
0x9e: {  	v14 =	vsel vm3, v17, v14;
	(v2sf) =	vpush v13, $0x8  }
0x9f: {  	(xrf0) =	vmax.scan.msk.f32 $0xffff, v14;
	_ =	sdelay $0x1  }
0xa0: {  	(v2sf) =	vpush v13, $0xA;
	_ =	sdelay $0x1  }
0xa1: {  	v16 =	vld.idx.msk [tilespmem:v11+s7+$0x0], $0xffff;
	s8 =	spop (v2sf)  }
0xa2: {  	(v2sf) =	vpush v13, $0xB;
	s5 =	smulhi.u32 $0x66666667, s8;
	s0 =	sshra.s32 s8, $0x1F  }
0xa3: {  	v17, _, _ =	vpop (xrf0);
	s9 =	spop (v2sf);
	s3 =	smul.u32 $0x66666667, s0  }
0xa4: {  	v21 =	vbroadcast v17, $0xF;
	(v2sf) =	vpush v13, $0x0;
	s6 =	smulhi.u32 $0x66666667, s9;
	s0 =	sshra.s32 s9, $0x1F  }
0xa5: {  	s10 =	spop (v2sf);
	s11 =	smul.u32 $0x66666667, s0  }
0xa6: {  	v15 =	vsel vm3, v16, v15;
	vm3 =	veq.f32 v14, v21;
	(v2sf) =	vpush v13, $0x1;
	s7 =	smulhi.u32 $0x66666667, s10;
	s0 =	sshra.s32 s10, $0x1F  }
0xa7: {  	v14 =	vnsel vm3, $0x7F61B1E6, v15;
	s12 =	spop (v2sf);
	s21 =	smul.u32 $0x66666667, s0  }
0xa8: {  	(xrf0) =	vmin.scan.msk.f32 $0xffff, v14;
	(v2sf) =	vpush v13, $0x2;
	s8 =	smulhi.u32 $0x66666667, s12;
	s0 =	sshra.s32 s12, $0x1F  }
0xa9: {  	(v2sf) =	vpush v13, $0x3;
	s13 =	spop (v2sf);
	s0 =	smul.u32 $0x66666667, s0  }
0xaa: {  	s9 =	smulhi.u32 $0x66666667, s13  }
0xab: {  	s14 =	spop (v2sf);
	[dreg:$0x16] =	wrdreg s0;
	s0 =	sshra.s32 s13, $0x1F  }
0xac: {  	(v2sf) =	vpush v13, $0x4;
	s4 =	smul.u32 $0x66666667, s0;
	s0 =	sshra.s32 s14, $0x1F  }
0xad: {  	s0 =	smul.u32 $0x66666667, s0  }
0xae: {  	v14, _, _ =	vpop (xrf0);
	(v2sf) =	vpush v13, $0x5;
	s15 =	smulhi.u32 $0x66666667, s14;
	s16 =	spop (v2sf)  }
0xaf: {  	v14 =	vbroadcast v14, $0xF;
	s17 =	smulhi.u32 $0x66666667, s16;
	[dreg:$0x19] =	wrdreg s0;
	s0 =	sshra.s32 s16, $0x1F  }
0xb0: {  	(v2sf) =	vpush v13, $0x6;
	s0 =	smul.u32 $0x66666667, s0  }
0xb1: {  	v15 =	vtrunc.f32 v14;
	s18 =	spop (v2sf);
	[dreg:$0x17] =	wrdreg s15  }
0xb2: {  	v15 =	vcvt.f32.s32 v15;
	(v2sf) =	vpush v13, $0x7;
	s19 =	smulhi.u32 $0x66666667, s18;
	[dreg:$0x1c] =	wrdreg s0;
	s0 =	sshra.s32 s18, $0x1F  }
0xb3: {  	s18 =	smul.u32 $0x66666667, s0;
	s20 =	spop (v2sf)  }
0xb4: {  	[dreg:$0x1a] =	wrdreg s17;
	(v2sf) =	vpush v15, $0xD;
	s22 =	smulhi.u32 $0x66666667, s20;
	s0 =	sshra.s32 s20, $0x1F  }
0xb5: {  	s23 =	spop (v2sf);
	s12 =	smul.u32 $0x66666667, s0  }
0xb6: {  	[dreg:$0x1b] =	wrdreg s19;
	(v2sf) =	vpush v15, $0xC;
	s13 =	smulhi.u32 $0x66666667, s23;
	s0 =	sshra.s32 s23, $0x1F  }
0xb7: {  	s21 =	sadd.s32 s21, s7;
	s24 =	spop (v2sf);
	s28 =	smul.u32 $0x66666667, s0  }
0xb8: {  	(v2sf) =	vpush v15, $0xE;
	s19 =	smulhi.u32 $0x66666667, s24;
	s0 =	sshra.s32 s24, $0x1F;
	s25 =	spop (v2sf)  }
0xb9: {  	s7 =	rddreg [dreg:$0x17];
	s29 =	smul.u32 $0x66666667, s0;
	s0 =	sshra.s32 s25, $0x1F  }
0xba: {  	[dreg:$0x1d] =	wrdreg s22;
	(v2sf) =	vpush v15, $0xF;
	s0 =	smul.u32 $0x66666667, s0  }
0xbb: {  	s26 =	smulhi.u32 $0x66666667, s25;
	s30 =	spop (v2sf)  }
0xbc: {  	s31 =	smulhi.u32 $0x66666667, s30;
	[smem:$0x7FD] =	sst s0;
	s0 =	sshra.s32 s30, $0x1F  }
0xbd: {  	s24 =	sadd.s32 s3, s5;
	s1 =	smul.u32 $0x66666667, s0;
	s0 =	spop (v2sf)  }
0xbe: {  	[dreg:$0x1e] =	wrdreg s26;
	s26 =	smulhi.u32 $0x66666667, s0;
	s2 =	sshra.s32 s0, $0x1F  }
0xbf: {  	s5 =	sadd.s32 s4, s9;
	s25 =	spop (v2sf);
	s23 =	smul.u32 $0x66666667, s2  }
0xc0: {  	(v2sf) =	vpush v15, $0x9;
	[dreg:$0x10] =	wrdreg s5;
	s30 =	smulhi.u32 $0x66666667, s25;
	s25 =	sshra.s32 s25, $0x1F  }
0xc1: {  	s10 =	spop (v2sf);
	s22 =	smul.u32 $0x66666667, s25  }
0xc2: {  	[dreg:$0x1f] =	wrdreg s31;
	s31 =	smulhi.u32 $0x66666667, s10;
	s25 =	sshra.s32 s10, $0x1F  }
0xc3: {  	s17 =	smul.u32 $0x66666667, s25;
	s14 =	spop (v2sf)  }
0xc4: {  	s5 =	rddreg [dreg:$0x1a];
	(v2sf) =	vpush v15, $0x8;
	s20 =	smulhi.u32 $0x66666667, s14;
	s25 =	sshra.s32 s14, $0x1F  }
0xc5: {  	(v2sf) =	vpush v15, $0xA;
	s15 =	spop (v2sf);
	s16 =	smul.u32 $0x66666667, s25  }
0xc6: {  	s2 =	rddreg [dreg:$0x16];
	s14 =	smulhi.u32 $0x66666667, s15;
	s25 =	sshra.s32 s15, $0x1F  }
0xc7: {  	s15 =	sadd.s32 s11, s6;
	s0 =	spop (v2sf);
	s10 =	smul.u32 $0x66666667, s25  }
0xc8: {  	(v2sf) =	vpush v15, $0xB;
	s11 =	smulhi.u32 $0x66666667, s0;
	s25 =	sshra.s32 s0, $0x1F;
	s0 =	sadd.s32 s2, s8  }
0xc9: {  	s3 =	spop (v2sf);
	[dreg:$0x14] =	wrdreg s0  }
0xca: {  	(v2sf) =	vpush v15, $0x0;
	s8 =	smul.u32 $0x66666667, s25;
	s6 =	sshra.s32 s3, $0x1F;
	s25 =	rddreg [dreg:$0x19]  }
0xcb: {  	s2 =	sadd.s32 s25, s7;
	s7 =	smul.u32 $0x66666667, s6;
	s6 =	rddreg [dreg:$0x1c]  }
0xcc: {  	(v2sf) =	vpush v15, $0x1;
	s16 =	sadd.s32 s16, s20;
	s25 =	rddreg [dreg:$0x1b]  }
0xcd: {  	[dreg:$0x12] =	wrdreg s16  }
0xce: {  	(v2sf) =	vpush v15, $0x2;
	s9 =	smulhi.u32 $0x66666667, s3;
	[dreg:$0x15] =	wrdreg s2;
	s2 =	sadd.s32 s6, s5  }
0xcf: {  	s13 =	sadd.s32 s28, s13;
	s4 =	spop (v2sf);
	[dreg:$0xf] =	wrdreg s2  }
0xd0: {  	(v2sf) =	vpush v15, $0x3;
	s8 =	sadd.s32 s8, s11;
	s2 =	sadd.s32 s18, s25;
	s25 =	rddreg [dreg:$0x1d]  }
0xd1: {  	s0 =	sshra.s32 s4, $0x1F;
	s6 =	smulhi.u32 $0x66666667, s4;
	[dreg:$0x13] =	wrdreg s8  }
0xd2: {  	s19 =	sadd.s32 s29, s19;
	(v2sf) =	vpush v15, $0x4;
	s5 =	smul.u32 $0x66666667, s0;
	[dreg:$0xe] =	wrdreg s2  }
0xd3: {  	s3 =	spop (v2sf);
	s18 =	sadd.s32 s12, s25;
	s12 =	sld [smem:$0x7FD]  }
0xd4: {  	(v2sf) =	vpush v15, $0x5;
	s4 =	smulhi.u32 $0x66666667, s3;
	s0 =	sshra.s32 s3, $0x1F;
	s2 =	spop (v2sf)  }
0xd5: {  	s28 =	smulhi.u32 $0x66666667, s2;
	s25 =	sshra.s32 s2, $0x1F;
	s2 =	rddreg [dreg:$0x1e]  }
0xd6: {  	s12 =	sadd.s32 s12, s2;
	s2 =	smul.u32 $0x66666667, s25;
	s25 =	rddreg [dreg:$0x1f]  }
0xd7: {  	s3 =	smul.u32 $0x66666667, s0;
	s29 =	spop (v2sf);
	s0 =	sadd.s32 s1, s25  }
0xd8: {  	(v2sf) =	vpush v15, $0x6;
	s1 =	smulhi.u32 $0x66666667, s29;
	s29 =	sshra.s32 s29, $0x1F;
	s25 =	sadd.s32 s23, s26  }
0xd9: {  	(v2sf) =	vpush v15, $0x7;
	s26 =	sadd.s32 s22, s30;
	s23 =	smul.u32 $0x66666667, s29;
	s29 =	spop (v2sf)  }
0xda: {  	[dreg:$0x18] =	wrdreg s0;
	s22 =	smulhi.u32 $0x66666667, s29;
	s0 =	sshra.s32 s29, $0x1F  }
0xdb: {  	s29 =	sadd.s32 s17, s31;
	s31 =	spop (v2sf);
	s0 =	smul.u32 $0x66666667, s0  }
0xdc: {  	s7 =	sadd.s32 s7, s9;
	s16 =	smulhi.u32 $0x66666667, s31;
	s30 =	sshra.s32 s31, $0x1F  }
0xdd: {  	s17 =	sadd.s32 s10, s14;
	s31 =	spop (v2sf);
	s10 =	smul.u32 $0x66666667, s30  }
0xde: {  	[dreg:$0x11] =	wrdreg s7;
	s11 =	smulhi.u32 $0x66666667, s31;
	s14 =	sshra.s32 s31, $0x1F  }
0xdf: {  	s8 =	spop (v2sf);
	s14 =	smul.u32 $0x66666667, s14  }
0xe0: {  	s7 =	sadd.s32 s5, s6;
	s30 =	smulhi.u32 $0x66666667, s8;
	s9 =	sshra.s32 s8, $0x1F  }
0xe1: {  	s5 =	sadd.s32 s3, s4;
	s20 =	spop (v2sf);
	s4 =	smul.u32 $0x66666667, s9  }
0xe2: {  	s8 =	sadd.s32 s2, s28;
	s2 =	smulhi.u32 $0x66666667, s20;
	s31 =	sshra.s32 s20, $0x1F  }
0xe3: {  	s9 =	sadd.s32 s23, s1;
	s3 =	spop (v2sf);
	s1 =	smul.u32 $0x66666667, s31  }
0xe4: {  	s28 =	smulhi.u32 $0x66666667, s3  }
0xe5: {  	s20 =	sshra.s32 s3, $0x1F;
	s3 =	sadd.s32 s0, s22;
	s22 =	sadd.s32 s10, s16  }
0xe6: {  	s14 =	sadd.s32 s14, s11;
	s11 =	sshra.s32 s21, $0x9;
	s31 =	smul.u32 $0x66666667, s20  }
0xe7: {  	s16 =	sadd.s32 s4, s30;
	s30 =	sshrl.u32 s18, $0x1F;
	s23 =	spop (v2sf)  }
0xe8: {  	v17 =	vmov s30;
	s30 =	sshrl.u32 s19, $0x1F;
	s6 =	spop (v2sf);
	s4 =	sadd.s32 s31, s28  }
0xe9: {  	s28 =	sshrl.u32 s24, $0x1F;
	s10 =	smulhi.u32 $0x66666667, s6;
	s20 =	sshra.s32 s6, $0x1F  }
0xea: {  	vm0 =	vcmask $0x300;
	s31 =	sshrl.u32 s21, $0x1F;
	s6 =	sshrl.u32 s15, $0x1F;
	s0 =	smul.u32 $0x66666667, s20  }
0xeb: {  	v17 =	vnsel vm0, $0x0, v17;
	s20 =	sadd.s32 s1, s2;
	v16 =	vmov s6;
	s1 =	sshra.s32 s24, $0x9;
	s6 =	sshrl.u32 s13, $0x1F  }
0xec: {  	v16 =	vsel vm2, s28, v16;
	s28 =	rddreg [dreg:$0x14];
	v17 =	vsel vm2, s6, v17;
	s6 =	sshra.s32 s29, $0x1F;
	s10 =	sadd.s32 s0, s10  }
0xed: {  	v16 =	vsel vm4, s31, v16;
	s0 =	sshrl.u32 s28, $0x1F;
	s31 =	smov.u32 s29;
	s29 =	rddreg [dreg:$0x10]  }
0xee: {  	vm5 =	vcmask $0xF0C;
	s2 =	sshra.s32 s15, $0x9;
	v17 =	vsel vm4, s30, v17;
	s30 =	sshrl.u32 s12, $0x1F;
	v16 =	vsel vm6, s0, v16;
	s0 =	rddreg [dreg:$0x15]  }
0xef: {  	vm7 =	vcmask $0x1714;
	v19 =	vmov s6;
	s6 =	sshra.s32 s18, $0x9;
	v17 =	vsel vm6, s30, v17;
	s30 =	rddreg [dreg:$0xf];
	s24 =	sshrl.u32 s0, $0x1F  }
0xf0: {  	vm9 =	vcmask $0x1F1C;
	s15 =	sshra.s32 s18, $0x1F;
	v19 =	vsel vm0, s6, v19;
	s6 =	rddreg [dreg:$0x18];
	v18 =	vmov s24;
	s24 =	sshrl.u32 s29, $0x1F  }
0xf1: {  	vm3 =	vcmask $0x704;
	v20 =	vmov s2;
	s2 =	sshrl.u32 s17, $0x1F;
	s21 =	sshrl.u32 s30, $0x1F;
	v18 =	vsel vm2, s24, v18;
	s24 =	sshrl.u32 s6, $0x1F  }
0xf2: {  	s18 =	sshrl.u32 s25, $0x1F;
	v19 =	vsel vm3, s15, v19;
	v18 =	vsel vm4, s21, v18;
	v17 =	vsel vm8, s24, v17;
	s24 =	rddreg [dreg:$0xe];
	s21 =	sshra.s32 s13, $0x9  }
0xf3: {  	v20 =	vsel vm2, s1, v20;
	v24 =	vmov s2;
	s13 =	sshra.s32 s13, $0x1F;
	s15 =	sshrl.u32 s24, $0x1F;
	v19 =	vsel vm2, s21, v19;
	s21 =	sshra.s32 s0, $0x9  }
0xf4: {  	v20 =	vsel vm4, s11, v20;
	v17 =	vsel vm10, s18, v17;
	s0 =	sshra.s32 s19, $0x9;
	v18 =	vsel vm6, s15, v18;
	s15 =	sshra.s32 s29, $0x9;
	s29 =	sshrl.u32 s26, $0x1F  }
0xf5: {  	s18 =	sshra.s32 s19, $0x1F;
	s19 =	sshra.s32 s12, $0x9;
	v19 =	vsel vm5, s13, v19;
	v22 =	vmov s21;
	s21 =	sshra.s32 s10, $0x1F;
	v17 =	vsel vm12, s29, v17  }
0xf6: {  	s12 =	sshra.s32 s12, $0x1F;
	s29 =	sshrl.u32 s31, $0x1F;
	v19 =	vsel vm4, s0, v19;
	v22 =	vsel vm2, s15, v22;
	v23 =	vmov s21;
	s0 =	sshrl.u32 s3, $0x1F  }
0xf7: {  	s21 =	sshra.s32 s3, $0x1F;
	s15 =	sshra.s32 s22, $0x9;
	v17 =	vsel vm14, s29, v17;
	v19 =	vsel vm7, s18, v19;
	s29 =	rddreg [dreg:$0x12];
	v25 =	vmov s0  }
0xf8: {  	v16 =	vcombine.low v18, v16;
	s18 =	rddreg [dreg:$0x13];
	s1 =	sshrl.u32 s29, $0x1F;
	v19 =	vsel vm6, s19, v19;
	s19 =	sshra.s32 s3, $0x9;
	v25 =	vnsel vm0, $0x0, v25  }
0xf9: {  	s0 =	sshrl.u32 s22, $0x1F;
	s11 =	sshrl.u32 s18, $0x1F;
	s3 =	rddreg [dreg:$0x11];
	v19 =	vsel vm9, s12, v19;
	v23 =	vsel vm0, s19, v23;
	v24 =	vsel vm2, s1, v24  }
0xfa: {  	s1 =	smulhi.u32 $0x66666667, s23;
	s19 =	sshra.s32 s23, $0x1F;
	v25 =	vsel vm2, s0, v25;
	s23 =	sshrl.u32 s14, $0x1F;
	vm0 =	vcmask $0x2724;
	v23 =	vsel vm3, s21, v23  }
0xfb: {  	s2 =	sshrl.u32 s3, $0x1F;
	v24 =	vsel vm4, s11, v24;
	s21 =	sshra.s32 s22, $0x1F;
	s22 =	sshrl.u32 s5, $0x1F;
	v25 =	vsel vm4, s23, v25;
	v23 =	vsel vm2, s15, v23  }
0xfc: {  	s12 =	sshrl.u32 s7, $0x1F;
	v24 =	vsel vm6, s2, v24;
	s2 =	smul.u32 $0x66666667, s19;
	s19 =	sshra.s32 s14, $0x9;
	v26 =	vmov s22;
	v23 =	vsel vm5, s21, v23  }
0xfd: {  	s13 =	sshrl.u32 s9, $0x1F;
	s23 =	sshra.s32 s14, $0x1F;
	vm3 =	vcmask $0x2F2C;
	s22 =	sshrl.u32 s16, $0x1F;
	v26 =	vsel vm2, s12, v26;
	v23 =	vsel vm4, s19, v23  }
0xfe: {  	s11 =	sshrl.u32 s20, $0x1F;
	s21 =	sshrl.u32 s8, $0x1F;
	v25 =	vsel vm6, s22, v25;
	s12 =	sshra.s32 s16, $0x9;
	vm5 =	vcmask $0x3734;
	v23 =	vsel vm7, s23, v23  }
0xff: {  	s14 =	sshrl.u32 s4, $0x1F;
	s15 =	sshra.s32 s16, $0x1F;
	s1 =	sadd.s32 s2, s1;
	v26 =	vsel vm4, s21, v26;
	v25 =	vsel vm8, s11, v25;
	v23 =	vsel vm6, s12, v23  }
0x100: {  	s19 =	sshra.s32 s17, $0x9;
	s21 =	sshra.s32 s20, $0x9;
	v26 =	vsel vm6, s13, v26;
	v25 =	vsel vm10, s14, v25;
	s16 =	sshrl.u32 s1, $0x1F;
	v23 =	vsel vm9, s15, v23  }
0x101: {  	s22 =	sshra.s32 s29, $0x9;
	s29 =	sshra.s32 s20, $0x1F;
	v27 =	vmov s19;
	s23 =	sshra.s32 s5, $0x9;
	v25 =	vsel vm12, s16, v25;
	v23 =	vsel vm8, s21, v23  }
0x102: {  	s7 =	sshra.s32 s7, $0x9;
	s11 =	sshra.s32 s4, $0x9;
	v27 =	vsel vm2, s22, v27;
	v28 =	vmov s23;
	v23 =	vsel vm0, s29, v23  }
0x103: {  	s2 =	sshra.s32 s18, $0x9;
	s4 =	sshra.s32 s4, $0x1F;
	s13 =	sshra.s32 s8, $0x9;
	v24 =	vcombine.low v26, v24;
	v28 =	vsel vm2, s7, v28;
	v23 =	vsel vm10, s11, v23  }
0x104: {  	s14 =	sshra.s32 s9, $0x9;
	s12 =	sshra.s32 s3, $0x9;
	v27 =	vsel vm4, s2, v27;
	s15 =	sshra.s32 s1, $0x9;
	v28 =	vsel vm4, s13, v28;
	v23 =	vsel vm3, s4, v23  }
0x105: {  	s16 =	sshrl.u32 s10, $0x1F;
	s1 =	sshra.s32 s1, $0x1F;
	v27 =	vsel vm6, s12, v27;
	v28 =	vsel vm6, s14, v28;
	v23 =	vsel vm12, s15, v23  }
0x106: {  	s17 =	sshra.s32 s10, $0x9;
	v25 =	vsel vm14, s16, v25;
	v26 =	vcombine.low v28, v27;
	v23 =	vsel vm5, s1, v23  }
0x107: {  	s18 =	sshra.s32 s6, $0x9;
	v24 =	vperm.xlane v24, v7;
	v25 =	vperm.xlane v25, v8;
	v23 =	vsel vm14, s17, v23  }
0x108: {  	v19 =	vsel vm8, s18, v19;
	s21 =	sshra.s32 s6, $0x1F;
	v26 =	vperm.xlane v26, v7;
	v23 =	vperm.xlane v23, v8  }
0x109: {  	v16 =	vperm.xlane v16, v7;
	s22 =	sshra.s32 s25, $0x9;
	v19 =	vsel vm0, s21, v19  }
0x10a: {  	s20 =	sshra.s32 s30, $0x9;
	s23 =	sshra.s32 s25, $0x1F;
	v19 =	vsel vm10, s22, v19;
	v24 =	vsel vm1, v25, v24;
	v23 =	vsel vm1, v23, v26  }
0x10b: {  	s24 =	sshra.s32 s24, $0x9;
	s19 =	sshra.s32 s28, $0x9;
	v22 =	vsel vm4, s20, v22;
	v18 =	vsel vm3, s23, v19;
	v19 =	vadd.s32 v24, v23  }
0x10c: {  	v20 =	vsel vm6, s19, v20;
	s25 =	sshra.s32 s26, $0x9;
	v22 =	vsel vm6, s24, v22;
	v23 =	vmul.u32 $0xFFFFFB00, v19  }
0x10d: {  	s28 =	sshra.s32 s26, $0x1F;
	v20 =	vcombine.low v22, v20;
	v18 =	vsel vm12, s25, v18;
	v24 =	vsub.s32 $0x0, v15  }
0x10e: {  	s29 =	sshra.s32 s31, $0x9;
	vm3 =	vlt.s32 v15, $0x1;
	v18 =	vsel vm5, s28, v18;
	vm5 =	vne.s32 v23, v24  }
0x10f: {  	v15 =	vperm.xlane v17, v8;
	v17 =	vsel vm14, s29, v18;
	vm3 =	vmand vm3, vm5  }
0x110: {  	v18 =	vperm.xlane v20, v7;
	v17 =	vperm.xlane v17, v8;
	v20 =	vsel vm3, $0xFFFFFFFF, v9  }
0x111: {  	v19 =	vadd.s32 v20, v19  }
0x112: {  	v15 =	vsel vm1, v15, v16;
	v16 =	vsel vm1, v17, v18;
	v17 =	vshll.u32 v19, $0x4  }
0x113: {  	v15 =	vadd.s32 v15, v16;
	v16 =	vor.u32 $0x1, v17  }
0x114: {  	v18 =	vmul.u32 $0xFFFFFB00, v15  }
0x115: {  	v19 =	vsub.s32 $0x0, v13  }
0x116: {  	vm3 =	vlt.s32 v13, $0x1;
	vm5 =	vne.s32 v18, v19  }
0x117: {  	s30 =	simm.s32 $0x2820;
	vm3 =	vmand vm3, vm5  }
0x118: {  	v13 =	vsel vm3, $0xFFFFFFFF, v9;
	v16 =	vld.idx.msk [tilespmem:v16+s30+$0x0], $0xffff  }
0x119: {  	v13 =	vadd.s32 v13, v15  }
0x11a: {  	v22 =	vshll.u32 v13, $0x4  }
0x11b: {  	v13 =	vor.u32 $0x2, v22  }
0x11c: {  	v15 =	vor.u32 $0x3, v22  }
0x11d: {  	v18 =	vor.u32 $0x4, v22;
	vm3 =	veq.f32 v16, v14  }
0x11e: {  	v14 =	vor.u32 $0x5, v22;
	v16 =	vsel vm3, $0x2, v12  }
0x11f: {  	v23 =	vor.u32 v16, v17  }
0x120: {  	v19 =	vld.idx.msk [tilespmem:v13+s30+$0x0], $0xffff;
	v13 =	vadd.s32 $0x2, v23  }
0x121: {  	v17 =	vld.idx.msk [tilespmem:v15+s30+$0x0], $0xffff;
	v24 =	vadd.s32 $0x1, v23  }
0x122: {  	v15 =	vld.idx.msk [tilespmem:v18+s30+$0x0], $0xffff;
	v25 =	vadd.s32 $0x3, v23  }
0x123: {  	v14 =	vld.idx.msk [tilespmem:v14+s30+$0x0], $0xffff  }
0x124: {  	v20 =	vld.idx.msk [tilespmem:v23+s30+$0x0], $0xffff  }
0x125: {  	v16 =	vld.idx.msk [tilespmem:v13+s30+$0x0], $0xffff  }
0x126: {  	v18 =	vld.idx.msk [tilespmem:v24+s30+$0x0], $0xffff  }
0x127: {  	v13 =	vld.idx.msk [tilespmem:v25+s30+$0x0], $0xffff;
	_ =	sdelay $0x1  }
0x128: {  	v24 =	vsub.f32 v15, v19;
	v25 =	vsub.f32 v14, v17;
	_ =	sdelay $0x1  }
0x129: {  	v24 =	vmax.f32 v24, $0.0e+00;
	v25 =	vmax.f32 v25, $0.0e+00;
	v28 =	vmax.f32 v20, v19  }
0x12a: {  	v26 =	vsub.f32 v16, v20;
	v27 =	vsub.f32 v13, v18;
	v30 =	vmin.f32 v16, v15  }
0x12b: {  	v29 =	vmax.f32 v18, v17;
	v31 =	vmin.f32 v13, v14;
	v28 =	vsub.f32 v30, v28  }
0x12c: {  	v29 =	vsub.f32 v31, v29;
	v26 =	vmax.f32 v26, $0.0e+00;
	v27 =	vmax.f32 v27, $0.0e+00  }
0x12d: {  	v25 =	vmul.f32 v25, v24;
	v24 =	vmul.f32 v27, v26  }
0x12e: {  	v26 =	vmax.f32 v28, $0.0e+00;
	v27 =	vmax.f32 v29, $0.0e+00  }
0x12f: {  	v26 =	vmul.f32 v27, v26;
	v27 =	vadd.f32 v24, v25;
	_ =	sdelay $0x1  }
0x130: {  	v27 =	vsub.f32 v27, v26;
	_ =	sdelay $0x1  }
0x131: {  	v27 =	vadd.f32 $9.999999930e-09, v27;
	_ =	sdelay $0x1  }
0x132: {  	(erf) = vrcp.f32 v27;
	_ =	sdelay $0x2  }
0x133: {  	s25 =	simm.s32 $0x0  }
0x134: {  	vm7 =	vgt.f32 v21, $-Inf;
	vm5 =	vlt.f32 v21, $-Inf;
	v21 =	vld [tilespmem:s25+$0xF00]  }
0x135: {  	v31 =	vld [tilespmem:s25+$0x500]  }
0x136: {  	v28 =	vld [tilespmem:s25+$0xF10]  }
0x137: {  	v32 =	vld [tilespmem:s25+$0x510]  }
0x138: {  	v35 =	vld [tilespmem:s25+$0xA10]  }
0x139: {  	vm5 =	vmor vm7, vm5;
	v29 =	vld [tilespmem:s25+$0xA00];
	v30 =	vpop (erf)  }
0x13a: {  	v22 =	vor.u32 $0x6, v22;
	v40 =	vmin.f32 v21, v14;
	v26 =	vmul.f32 v30, v26;
	v30 =	vld [tilespmem:s25+$0x0]  }
0x13b: {  	v33 =	vmin.f32 v28, v14;
	v34 =	vmin.f32 v28, v13;
	v28 =	vmax.f32 v31, v17  }
0x13c: {  	v23 =	vor.u32 $0x4, v23;
	v37 =	vmax.f32 v32, v17;
	v28 =	vsub.f32 v40, v28;
	v27 =	vld [tilespmem:s25+$0x1900]  }
0x13d: {  	v60 =	vmin.f32 v35, v15;
	v21 =	vmin.f32 v21, v13;
	v33 =	vsub.f32 v33, v37  }
0x13e: {  	v38 =	vld [tilespmem:s25+$0x10];
	v28 =	vmax.f32 v28, $0.0e+00;
	vm3 =	vgt.f32 v26, $6.999999880e-01;
	v26 =	vmin.f32 v29, v15  }
0x13f: {  	v29 =	vmin.f32 v29, v16;
	v39 =	vmax.f32 v30, v20;
	v30 =	vmax.f32 v30, v19  }
0x140: {  	v26 =	vsub.f32 v26, v30;
	v30 =	vmax.f32 v31, v18;
	v29 =	vsub.f32 v29, v39  }
0x141: {  	v36 =	vadd.f32 v27, v24;
	vm3 =	vmneg vm3;
	v21 =	vsub.f32 v21, v30  }
0x142: {  	v30 =	vadd.f32 v27, v25;
	v31 =	vmax.f32 v26, $0.0e+00;
	v26 =	vld [tilespmem:s25+$0x1910];
	v29 =	vmax.f32 v29, $0.0e+00  }
0x143: {  	v28 =	vmul.f32 v28, v31;
	v21 =	vmax.f32 v21, $0.0e+00;
	v31 =	vmax.f32 v38, v19  }
0x144: {  	p3 =	por $0x1, $0x1;
	v27 =	vmul.f32 v21, v29;
	v21 =	vsub.f32 v60, v31;
	v29 =	vmax.f32 v32, v18  }
.Ltmp3:
0x145: {  	v31 =	vmax.f32 v38, v20;
	v61 =	vsub.f32 v30, v28;
	v30 =	vmax.f32 v33, $0.0e+00;
	(pc) =	sbr.rel @!p3 .LBB2_5-.Ltmp3, $4  }
0x146: {  	v32 =	vsub.f32 v34, v29;
	v29 =	vmin.f32 v35, v16;
	v21 =	vmax.f32 v21, $0.0e+00  }
0x147: {  	s31 =	simm.s32 $0x2820;
	v62 =	vsub.f32 v36, v27;
	v63 =	vadd.f32 v26, v25;
	v30 =	vmul.f32 v30, v21  }
0x148: {  	v22 =	vld.idx.msk [tilespmem:v22+s31+$0x0], $0xffff;
	vm11 =	vmand vm5, vm3;
	v43 =	vsub.f32 v29, v31;
	v44 =	vadd.f32 $9.999999930e-09, v61  }
0x149: {  	p1 =	por $0x0, $0x0;
	p2 =	por $0x0, $0x0;
	v21 =	vld.idx.msk [tilespmem:v23+s31+$0x0], $0xffff;
	v23 =	vimm.f32 $-Inf;
	v42 =	vadd.f32 $9.999999930e-09, v62;
	v40 =	vsub.f32 v63, v30  }
0x14a: {  	s24 =	simm.s32 $0x20  }
0x14b: {  	v31 =	vld [tilespmem:s24+$0x1900]  }
0x14c: {  	v33 =	vld [tilespmem:s24+$0xF10]  }
0x14d: {  	v34 =	vld [tilespmem:s24+$0xA00]  }
0x14e: {  	v29 =	vmax.f32 v43, $0.0e+00;
	v32 =	vmax.f32 v32, $0.0e+00;
	v35 =	vld [tilespmem:s24+$0x500]  }
0x14f: {  	v60 =	vadd.f32 v26, v24;
	v36 =	vld [tilespmem:s24+$0x0];
	v29 =	vmul.f32 v32, v29  }
0x150: {  	v37 =	vld [tilespmem:s24+$0x510]  }
0x151: {  	(erf) = vrcp.f32 v44;
	v38 =	vld [tilespmem:s24+$0xF00];
	v40 =	vadd.f32 $9.999999930e-09, v40;
	v32 =	vsub.f32 v60, v29  }
0x152: {  	(erf) = vrcp.f32 v42;
	v26 =	vld [tilespmem:s24+$0x1910]  }
0x153: {  	(erf) = vrcp.f32 v40;
	v48 =	vadd.f32 $9.999999930e-09, v32;
	v41 =	vmin.f32 v33, v14  }
0x154: {  	v39 =	vld [tilespmem:s24+$0x10];
	v33 =	vmin.f32 v33, v13;
	v61 =	vmin.f32 v34, v15;
	v43 =	vadd.f32 v31, v24  }
0x155: {  	v52 =	vld [tilespmem:s24+$0xA10];
	v62 =	vmax.f32 v35, v17;
	v45 =	vmax.f32 v37, v17;
	v37 =	vmax.f32 v37, v18  }
0x156: {  	v46 =	vmax.f32 v36, v20;
	v34 =	vmin.f32 v34, v16;
	v49 =	vmin.f32 v38, v13  }
0x157: {  	v51 =	vadd.f32 v26, v25;
	v54 =	vmax.f32 v36, v19;
	v55 =	vmin.f32 v38, v14  }
0x158: {  	v35 =	vmax.f32 v35, v18;
	v31 =	vadd.f32 v31, v25;
	v34 =	vsub.f32 v34, v46  }
0x159: {  	v59 =	vmax.f32 v39, v19;
	v56 =	vsub.f32 v61, v54;
	v36 =	vsub.f32 v55, v62  }
0x15a: {  	v60 =	vmin.f32 v52, v15;
	v32 =	vsub.f32 v33, v37;
	v57 =	vsub.f32 v41, v45;
	v63 =	vpop (erf)  }
0x15b: {  	v50 =	vmax.f32 v39, v20;
	v35 =	vsub.f32 v49, v35;
	v61 =	vsub.f32 v60, v59;
	v47 =	vpop (erf)  }
0x15c: {  	v58 =	vmax.f32 v56, $0.0e+00;
	v36 =	vmax.f32 v36, $0.0e+00;
	v27 =	vmul.f32 v47, v27  }
0x15d: {  	v34 =	vmax.f32 v34, $0.0e+00;
	(erf) = vrcp.f32 v48;
	v46 =	vmul.f32 v36, v58  }
0x15e: {  	p3 =	por $0x1, $0x1;
	v28 =	vmul.f32 v63, v28;
	vm3 =	vgt.f32 v27, $6.999999880e-01;
	v27 =	vmax.f32 v35, $0.0e+00  }
.Ltmp4:
0x15f: {  	v33 =	vmax.f32 v57, $0.0e+00;
	v31 =	vsub.f32 v31, v46;
	v62 =	vpop (erf);
	v27 =	vmul.f32 v27, v34;
	(pc) =	sbr.rel @!p3 .LBB2_7-.Ltmp4, $4  }
0x160: {  	vm7 =	vgt.f32 v28, $6.999999880e-01;
	v28 =	vmul.f32 v62, v30;
	v34 =	vmax.f32 v61, $0.0e+00  }
0x161: {  	v30 =	vmin.f32 v52, v16;
	v47 =	vmul.f32 v33, v34;
	v63 =	vsub.f32 v43, v27  }
0x162: {  	vm5 =	vmand vm11, vm3;
	v44 =	vadd.f32 $9.999999930e-09, v31;
	v43 =	vsub.f32 v30, v50  }
0x163: {  	p1 =	por $0x1, $0x1;
	s5 =	rddreg [dreg:$0xc];
	v49 =	vld [tilespmem:s25+$0x1E00];
	vm3 =	vgt.f32 v28, $6.999999880e-01;
	v40 =	vsub.f32 v51, v47;
	v42 =	vadd.f32 $9.999999930e-09, v63  }
0x164: {  	_ =	sdelay $0x2  }
0x165: {  	s26 =	simm.s32 $0x40;
	v33 =	vld [tilespmem:s25+$0x2300];
	vm5 =	vmor vm7, vm5  }
0x166: {  	v34 =	vld [tilespmem:s26+$0xF10];
	v30 =	vsel vm5, $0xFF800000, v49  }
0x167: {  	(erf) = vrcp.f32 v44;
	v26 =	vadd.f32 v26, v24;
	v28 =	vld [tilespmem:s26+$0x1900];
	v40 =	vadd.f32 $9.999999930e-09, v40;
	v31 =	vpop (erf);
	[tilespmem:s25+$0x1E00] =	vst v30  }
0x168: {  	(erf) = vrcp.f32 v42;
	v36 =	vmul.f32 v31, v29;
	v29 =	vmax.f32 v43, $0.0e+00;
	v35 =	vld [tilespmem:s26+$0xA00]  }
0x169: {  	v31 =	vmax.f32 v32, $0.0e+00;
	(erf) = vrcp.f32 v40;
	vm13 =	vgt.f32 v30, v23;
	v37 =	vld [tilespmem:s26+$0x500]  }
0x16a: {  	v29 =	vmul.f32 v31, v29;
	vm5 =	vgt.f32 v36, $6.999999880e-01;
	v38 =	vld [tilespmem:s26+$0x0];
	v39 =	vsel vm13, v23, v30  }
0x16b: {  	v57 =	vld [tilespmem:s26+$0x510];
	v31 =	vsel vm13, v30, v23;
	v30 =	vmin.f32 v34, v14;
	v34 =	vmin.f32 v34, v13  }
0x16c: {  	v41 =	vld [tilespmem:s26+$0xF00];
	v59 =	vsub.f32 v26, v29;
	v48 =	vsel vm13, v5, v33;
	vm5 =	vmand vm11, vm5  }
0x16d: {  	v58 =	vld [tilespmem:s26+$0x10];
	vm9 =	vlt.f32 v48, v5;
	vm3 =	vmor vm3, vm5;
	vm5 =	veq.f32 v39, v23  }
0x16e: {  	v44 =	vadd.f32 v28, v24;
	vm7 =	vgt.f32 v39, v23;
	vm9 =	vmand vm5, vm9  }
0x16f: {  	v26 =	vld [tilespmem:s26+$0x1910];
	v55 =	vadd.f32 v28, v25;
	v43 =	vadd.f32 $9.999999930e-09, v59;
	vm9 =	vmor vm7, vm9  }
0x170: {  	v60 =	vmin.f32 v35, v15;
	v45 =	vmax.f32 v37, v17;
	v61 =	vmax.f32 v57, v17  }
0x171: {  	v32 =	vmax.f32 v57, v18;
	v50 =	vmax.f32 v38, v20;
	v35 =	vmin.f32 v35, v16  }
0x172: {  	v62 =	vpop (erf);
	v52 =	vmin.f32 v41, v13;
	v53 =	vmax.f32 v58, v20;
	v37 =	vmax.f32 v37, v18  }
0x173: {  	v51 =	vpop (erf);
	v63 =	vmax.f32 v38, v19;
	(erf) = vrcp.f32 v43;
	v56 =	vmax.f32 v58, v19  }
0x174: {  	v27 =	vmul.f32 v51, v27;
	v51 =	vadd.f32 v26, v25;
	v32 =	vsub.f32 v34, v32  }
0x175: {  	v38 =	vld [tilespmem:s26+$0xA10];
	v58 =	vmul.f32 v62, v46;
	v35 =	vsub.f32 v35, v50;
	v30 =	vsub.f32 v30, v61  }
0x176: {  	v50 =	vmin.f32 v41, v14;
	v34 =	vsub.f32 v60, v63;
	v37 =	vsub.f32 v52, v37;
	v62 =	vpop (erf)  }
0x177: {  	v59 =	vld [tilespmem:s25+$0x1E10];
	v54 =	vsub.f32 v50, v45;
	vm7 =	vgt.f32 v58, $6.999999880e-01;
	v63 =	vmul.f32 v62, v47  }
0x178: {  	v35 =	vmax.f32 v35, $0.0e+00;
	v34 =	vmax.f32 v34, $0.0e+00;
	vm5 =	vgt.f32 v27, $6.999999880e-01  }
0x179: {  	v27 =	vmax.f32 v37, $0.0e+00;
	v30 =	vmax.f32 v30, $0.0e+00;
	v37 =	vimm.f32 $-Inf  }
0x17a: {  	v36 =	vmax.f32 v54, $0.0e+00;
	vm5 =	vmand vm11, vm5;
	v57 =	vmin.f32 v38, v15  }
0x17b: {  	p3 =	por $0x1, $0x1;
	v27 =	vmul.f32 v27, v35;
	v28 =	vmul.f32 v36, v34;
	v34 =	vsub.f32 v57, v56  }
.Ltmp5:
0x17c: {  	v49 =	vld [tilespmem:s24+$0x1E00];
	v35 =	vsel vm9, v48, v5;
	v48 =	vsel vm3, $0xFF800000, v59;
	v38 =	vmin.f32 v38, v16;
	(pc) =	sbr.rel @!p3 .LBB2_9-.Ltmp5, $4  }
0x17d: {  	v45 =	vld [tilespmem:s25+$0x2310];
	v61 =	vsub.f32 v44, v27;
	v60 =	vsub.f32 v55, v28;
	v34 =	vmax.f32 v34, $0.0e+00  }
0x17e: {  	vm3 =	vgt.f32 v63, $6.999999880e-01;
	v43 =	vsub.f32 v38, v53;
	v30 =	vmul.f32 v30, v34  }
0x17f: {  	v41 =	vmovc v5;
	[tilespmem:s25+$0x1E10] =	vst v48;
	v38 =	vimm.f32 $-Inf;
	v36 =	vmovc v5;
	v42 =	vadd.f32 $9.999999930e-09, v61;
	v44 =	vadd.f32 $9.999999930e-09, v60  }
0x180: {  	s2 =	simm.s32 $0x180;
	p2 =	por $0x1, $0x1;
	v34 =	vsel vm9, v39, v23;
	vm9 =	vgt.f32 v48, v23;
	v39 =	vmovc v5;
	v40 =	vsub.f32 v51, v30  }
.LBB2_10:
0x181: {  	s0 =	sshra.s32 s2, $0x2;
	p3 =	sne.s32 s2, $0x1380;
	s2 =	sadd.s32 $0x80, s2;
	(erf) = vrcp.f32 v44;
	vm5 =	vmor vm7, vm5;
	v44 =	vpop (erf);
	v41 =	vsel vm13, v33, v41;
	v33 =	vld [tilespmem:s24+$0x2300]  }
0x182: {  	v46 =	vld [tilespmem:s0+$0x1900];
	v47 =	vsel vm5, $0xFF800000, v49;
	v44 =	vmul.f32 v44, v29;
	v49 =	vsel vm9, v36, v45  }
0x183: {  	v50 =	vld [tilespmem:s0+$0xF10];
	(erf) = vrcp.f32 v42;
	[tilespmem:s24+$0x1E00] =	vst v47;
	vm13 =	vgt.f32 v47, v31;
	v42 =	vsel vm9, v37, v48  }
0x184: {  	v29 =	vmax.f32 v43, $0.0e+00;
	v51 =	vld [tilespmem:s0+$0xA10];
	v43 =	vsel vm13, v31, v47;
	vm5 =	veq.f32 v42, v38  }
0x185: {  	vm0 =	vlt.f32 v49, v39;
	v31 =	vsel vm13, v47, v31;
	vm7 =	vgt.f32 v42, v38;
	v52 =	vld [tilespmem:s0+$0xA00]  }
0x186: {  	v32 =	vmax.f32 v32, $0.0e+00;
	v36 =	vsel vm9, v45, v36;
	vm0 =	vmand vm5, vm0;
	v47 =	vld [tilespmem:s0+$0x500]  }
0x187: {  	v29 =	vmul.f32 v32, v29;
	v37 =	vsel vm9, v48, v37;
	vm0 =	vmor vm7, vm0;
	v45 =	vld [tilespmem:s0+$0x0]  }
0x188: {  	v26 =	vadd.f32 v26, v24;
	v38 =	vsel vm0, v42, v38;
	v32 =	vld [tilespmem:s0+$0x510];
	v48 =	vmin.f32 v50, v14  }
0x189: {  	vm7 =	vgt.f32 v43, v34;
	v39 =	vsel vm0, v49, v39;
	v50 =	vmin.f32 v50, v13;
	v42 =	vld [tilespmem:s0+$0xF00]  }
0x18a: {  	v40 =	vadd.f32 $9.999999930e-09, v40;
	v53 =	vsub.f32 v26, v29;
	vm0 =	vgt.f32 v44, $6.999999880e-01;
	v49 =	vld [tilespmem:s0+$0x10];
	v54 =	vpop (erf)  }
0x18b: {  	v56 =	vsel vm13, v41, v33;
	v55 =	vadd.f32 v46, v24;
	v44 =	vmin.f32 v52, v15;
	v26 =	vld [tilespmem:s0+$0x1910]  }
0x18c: {  	vm5 =	vlt.f32 v56, v35;
	v57 =	vmax.f32 v47, v17;
	v58 =	vpop (erf);
	(erf) = vrcp.f32 v40  }
0x18d: {  	vm0 =	vmand vm11, vm0;
	v40 =	vmax.f32 v32, v17;
	v32 =	vmax.f32 v32, v18  }
0x18e: {  	v53 =	vadd.f32 $9.999999930e-09, v53;
	v52 =	vmin.f32 v52, v16;
	v59 =	vmax.f32 v45, v20  }
0x18f: {  	v27 =	vmul.f32 v58, v27;
	v60 =	vmin.f32 v42, v13;
	v61 =	vmax.f32 v49, v20  }
0x190: {  	v47 =	vmax.f32 v47, v18;
	v32 =	vsub.f32 v50, v32;
	v58 =	vadd.f32 v26, v25  }
0x191: {  	v45 =	vmax.f32 v45, v19;
	v50 =	vsub.f32 v52, v59;
	v40 =	vsub.f32 v48, v40  }
0x192: {  	vm3 =	vmor vm3, vm0;
	v44 =	vsub.f32 v44, v45;
	v42 =	vmin.f32 v42, v14  }
0x193: {  	vm0 =	veq.f32 v43, v34;
	v42 =	vsub.f32 v42, v57;
	v45 =	vmax.f32 v50, $0.0e+00  }
0x194: {  	vm0 =	vmand vm0, vm5;
	v44 =	vmax.f32 v44, $0.0e+00;
	v47 =	vsub.f32 v60, v47  }
0x195: {  	v46 =	vadd.f32 v46, v25;
	vm5 =	vgt.f32 v27, $6.999999880e-01;
	v42 =	vmax.f32 v42, $0.0e+00;
	v48 =	vpop (erf)  }
0x196: {  	v27 =	vmax.f32 v47, $0.0e+00;
	v42 =	vmul.f32 v42, v44;
	(erf) = vrcp.f32 v53  }
0x197: {  	vm5 =	vmand vm11, vm5;
	v47 =	vmin.f32 v51, v15;
	v44 =	vmax.f32 v49, v19  }
0x198: {  	v27 =	vmul.f32 v27, v45;
	v45 =	vmul.f32 v54, v28;
	v44 =	vsub.f32 v47, v44;
	v28 =	vmovc v42;
	v47 =	vld [tilespmem:s24+$0x1E10]  }
0x199: {  	vm0 =	vmor vm7, vm0;
	v40 =	vmax.f32 v40, $0.0e+00;
	v42 =	vsub.f32 v46, v28  }
.Ltmp6:
0x19a: {  	vm7 =	vgt.f32 v45, $6.999999880e-01;
	v46 =	vsub.f32 v55, v27;
	v49 =	vmax.f32 v44, $0.0e+00;
	v45 =	vld [tilespmem:s24+$0x2310];
	(pc) =	sbr.rel @p3 .LBB2_10-.Ltmp6, $4  }
0x19b: {  	v34 =	vsel vm0, v43, v34;
	v50 =	vmul.f32 v40, v49;
	v44 =	vadd.f32 $9.999999930e-09, v42;
	v49 =	vld [tilespmem:s26+$0x1E00]  }
0x19c: {  	v35 =	vsel vm0, v56, v35;
	v42 =	vadd.f32 $9.999999930e-09, v46;
	v46 =	vmul.f32 v48, v30  }
0x19d: {  	v43 =	vmin.f32 v51, v16;
	v40 =	vsub.f32 v58, v50;
	v30 =	vmovc v50;
	v48 =	vsel vm3, $0xFF800000, v47  }
0x19e: {  	v43 =	vsub.f32 v43, v61;
	vm3 =	vgt.f32 v46, $6.999999880e-01;
	[tilespmem:s24+$0x1E10] =	vst v48;
	vm9 =	vgt.f32 v48, v37;
	s24 =	smov.u32 s26;
	s26 =	smov.u32 s0  }
0x19f: {  	s25 =	smov.u32 s26  }
.LBB2_12:
0x1a0: {  	(erf) = vrcp.f32 v44;
	vm0 =	vmor @p1 vm7, vm5;
	v33 =	vsel @p2 vm13, v33, v41  }
0x1a1: {  	v40 =	vadd.f32 $9.999999930e-09, v40;
	v43 =	vmax.f32 v43, $0.0e+00;
	v32 =	vmax.f32 v32, $0.0e+00  }
0x1a2: {  	v25 =	vpop @p1 (erf);
	v24 =	vadd.f32 v26, v24;
	v19 =	vnsel vm15, $0x0, v19;
	v41 =	vsel @p1 vm0, $0xFF800000, v49  }
0x1a3: {  	(erf) = vrcp.f32 v42;
	v25 =	vmul.f32 @p1 v25, v29;
	v29 =	vsel @p2 vm9, v36, v45  }
0x1a4: {  	s1 =	rddreg [dreg:$0xd];
	v42 =	vsel @p2 vm9, v37, v48;
	v32 =	vmul.f32 v32, v43;
	v33 =	vpsel p2, v33, v5  }
0x1a5: {  	v49 =	vsel vm11, $0x1, v9;
	v55 =	vmov s1;
	vm5 =	vgt.f32 @p1 v41, v31  }
0x1a6: {  	vm0 =	veq.f32 @p2 v42, v38;
	(erf) = vrcp.f32 v40;
	vm7 =	vgt.f32 @p2 v42, v38  }
0x1a7: {  	vm13 =	vlt.f32 @p2 v29, v39;
	(v2sf) =	vpush v49, $0x0;
	v56 =	vmul.u32 $0x5, v55  }
0x1a8: {  	v44 =	vsel @p1 vm5, v31, v41;
	vm0 =	vmand @p2 vm0, vm13;
	v26 =	vsel @p1 vm5, v41, v31  }
0x1a9: {  	v40 =	vld @p1 [tilespmem:s24+$0x2300];
	v31 =	vsel @p2 vm9, v45, v36;
	v36 =	vsel @p2 vm9, v48, v37;
	v24 =	vsub.f32 v24, v32  }
0x1aa: {  	vm0 =	vmor @p2 vm7, vm0;
	vm7 =	vgt.f32 @p1 v44, v34;
	v31 =	vpsel p2, v31, v5  }
0x1ab: {  	v26 =	vpsel p1, v26, v23;
	v58 =	vbroadcast v56, $0x0;
	v37 =	vsel @p2 vm0, v42, v38  }
0x1ac: {  	v29 =	vsel @p2 vm0, v29, v39;
	vm0 =	vgt.f32 @p1 v25, $6.999999880e-01;
	v24 =	vadd.f32 $9.999999930e-09, v24  }
0x1ad: {  	vm0 =	vmand @p1 vm11, vm0;
	v37 =	vpsel p2, v37, v23;
	v29 =	vpsel p2, v29, v5  }
0x1ae: {  	v60 =	vadd.s32 v2, v58;
	v25 =	vsel @p1 vm5, v33, v40;
	vm0 =	vmor @p1 vm3, vm0  }
0x1af: {  	vm3 =	veq.f32 @p1 v44, v34;
	vm5 =	vmmov @p1 vm5;
	vm9 =	vlt.f32 @p1 v25, v35;
	v61 =	vpop (erf)  }
0x1b0: {  	v39 =	vld @p1 [tilespmem:s24+$0x1E10];
	vm3 =	vmand @p1 vm3, vm9;
	v62 =	vpop (erf);
	(erf) = vrcp.f32 v24;
	v38 =	vmul.f32 v61, v28  }
0x1b1: {  	[tilespmem:s24+$0x1E00] =	vst @p1 v41;
	vm3 =	vmor @p1 vm7, vm3;
	v61 =	vadd.s32 $0x5, v2;
	v27 =	vmul.f32 v62, v27  }
0x1b2: {  	v41 =	vld [tilespmem:s25+$0x1E00];
	v63 =	vpop (erf);
	v25 =	vsel @p1 vm3, v25, v35;
	v35 =	vpsel p1, v40, v0;
	v62 =	vadd.s32 v61, v58  }
0x1b3: {  	v28 =	vld @p1 [tilespmem:s24+$0x2310];
	v24 =	vmul.f32 v63, v30;
	vm7 =	vgt.f32 v38, $6.999999880e-01;
	v25 =	vpsel p1, v25, v5  }
0x1b4: {  	v33 =	vsel @p1 vm5, v35, v33;
	vm9 =	vgt.f32 v27, $6.999999880e-01;
	v27 =	vsel @p1 vm3, v44, v34  }
0x1b5: {  	v34 =	vsel @p1 vm0, $0xFF800000, v39;
	v44 =	vpsel p1, v33, v5;
	vm9 =	vmand vm11, vm9  }
0x1b6: {  	vm3 =	vgt.f32 v24, $6.999999880e-01;
	v24 =	vpsel p2, v36, v23;
	v36 =	vpsel p1, v34, v0  }
0x1b7: {  	[tilespmem:s24+$0x1E10] =	vst @p1 v34;
	v27 =	vpsel p1, v27, v23;
	vm0 =	vgt.f32 @p1 v34, v24;
	vm7 =	vmor vm7, vm9  }
0x1b8: {  	v28 =	vpsel p1, v28, v0;
	v34 =	vld [tilespmem:s25+$0x2300];
	vm0 =	vmmov @p1 vm0;
	v30 =	vsel vm7, $0xFF800000, v41  }
0x1b9: {  	vm5 =	vgt.f32 v30, v26;
	v35 =	vsel @p1 vm0, v24, v36;
	v38 =	vsel @p1 vm0, v31, v28  }
0x1ba: {  	v28 =	vsel @p1 vm0, v28, v31;
	v24 =	vsel @p1 vm0, v36, v24;
	v43 =	vsel vm5, v26, v30  }
0x1bb: {  	vm7 =	veq.f32 @p1 v35, v37;
	v26 =	vsel vm5, v30, v26;
	vm9 =	vgt.f32 @p1 v35, v37  }
0x1bc: {  	vm13 =	vlt.f32 @p1 v38, v29;
	v24 =	vpsel p1, v24, v23;
	v28 =	vpsel p1, v28, v5;
	v42 =	vpop (erf)  }
0x1bd: {  	v46 =	vld [tilespmem:s25+$0x1E10];
	vm7 =	vmand @p1 vm7, vm13;
	v32 =	vmul.f32 v42, v32;
	v45 =	vsel vm5, v44, v34  }
0x1be: {  	vm0 =	vmor @p1 vm9, vm7;
	vm9 =	veq.f32 v43, v27;
	vm7 =	vlt.f32 v45, v25  }
0x1bf: {  	v47 =	vld [tilespmem:s25+$0x2310];
	vm13 =	vgt.f32 v43, v27;
	vm7 =	vmand vm9, vm7;
	vm9 =	vgt.f32 v32, $6.999999880e-01  }
0x1c0: {  	v35 =	vsel @p1 vm0, v35, v37;
	v29 =	vsel @p1 vm0, v38, v29;
	vm0 =	vmand vm11, vm9  }
0x1c1: {  	[tilespmem:s25+$0x1E00] =	vst v30;
	v30 =	vsel vm5, v34, v44;
	v50 =	vpsel p1, v35, v23;
	vm0 =	vmor vm3, vm0  }
0x1c2: {  	v29 =	vpsel p1, v29, v5;
	vm7 =	vmor vm13, vm7;
	v48 =	vsel vm0, $0xFF800000, v46  }
0x1c3: {  	v27 =	vsel vm7, v43, v27;
	v25 =	vsel vm7, v45, v25;
	vm0 =	vgt.f32 v48, v24  }
0x1c4: {  	v51 =	vsel vm0, v24, v48;
	v52 =	vsel vm0, v28, v47;
	v24 =	vsel vm0, v48, v24  }
0x1c5: {  	v28 =	vsel vm0, v47, v28;
	vm3 =	veq.f32 v51, v50;
	vm7 =	vlt.f32 v52, v29  }
0x1c6: {  	vm5 =	vgt.f32 v51, v50;
	vm0 =	vmand vm3, vm7;
	vm3 =	vgt.f32 v24, v26  }
0x1c7: {  	vm0 =	vmor vm5, vm0;
	v53 =	vsel vm3, v26, v24;
	v54 =	vsel vm3, v30, v28  }
0x1c8: {  	v24 =	vsel vm3, v24, v26;
	v57 =	vsel vm3, v28, v30;
	vm3 =	vmmov $0x1f  }
0x1c9: {  	v23 =	vsel vm0, v51, v50;
	vm5 =	veq.f32 v53, v27;
	vm7 =	vlt.f32 v54, v25  }
0x1ca: {  	vm9 =	vgt.f32 v53, v27;
	v29 =	vsel vm0, v52, v29;
	vm3 =	vmand vm11, vm3  }
0x1cb: {  	vm11 =	vcmask $0xF14;
	vm5 =	vmand vm5, vm7;
	vm7 =	vcmask $0x714  }
0x1cc: {  	s0 =	spop (v2sf);
	vm0 =	vmor vm9, vm5;
	vm5 =	vcmask $0x314;
	vm9 =	vcmask $0xB14  }
0x1cd: {  	s0 =	sadd.s32 s0, s1;
	v27 =	vsel vm0, v53, v27;
	v25 =	vsel vm0, v54, v25;
	vm0 =	vgt.f32 v23, v24  }
0x1ce: {  	s0 =	sadd.s32 $0x1, s0;
	v17 =	vsel vm5, v19, v17;
	v19 =	vnsel vm15, $0x0, v20;
	v59 =	vsel vm0, v24, v23  }
0x1cf: {  	p1 =	slt.s32 s0, $0x64;
	v63 =	vsel vm0, v57, v29;
	v15 =	vsel vm7, v17, v15;
	v17 =	vsel vm5, v19, v18  }
.Ltmp7:
0x1d0: {  	vm5 =	veq.f32 v59, v27;
	v14 =	vsel vm9, v15, v14;
	v15 =	vsel vm7, v17, v16;
	(pc) =	sbr.rel @p1 .LBB2_4-.Ltmp7, $4  }
.Ltmp8:
0x1d1: {  	s31 =	simm.s32 $0x2A20;
	[tilespmem:s25+$0x1E10] =	vst v48;
	vm7 =	vlt.f32 v63, v25;
	v14 =	vsel vm11, v14, v22;
	v13 =	vsel vm9, v15, v13;
	(pc) =	sbr.rel @!p1 .LBB2_13-.Ltmp8, $4  }
0x1d2: {  	vm9 =	vgt.f32 v59, v27;
	vm5 =	vmand vm5, vm7;
	[tilespmem:v60+s31+$0x0] =	vst.idx.msk $0x1f, v14;
	v14 =	vsel vm11, v13, v21  }
0x1d3: {  	v13 =	vsel vm0, v23, v24;
	vm5 =	vmor vm9, vm5;
	[tilespmem:v62+s31+$0x0] =	vst.idx.msk vm3, v14  }
0x1d4: {  	s5 =	sadd.s32 $0x1, s5;
	v14 =	vsel vm0, v29, v57;
	v16 =	vsel vm5, v59, v27;
	v15 =	vsel vm5, v63, v25;
	[tilespmem:$0x29A0] =	vst v49  }
0x1d5: {  	_ = 	snop  }
.LBB2_5:
.Ltmp9:
0x1d6: {  	(pc) =	sbr.rel .LBB2_12-.Ltmp9, $3  }
0x1d7: {  	_ =	sdelay $0x1  }
0x1d8: {  	v31 =	vimm.f32 $-Inf;
	v41 =	vmov v5;
	v36 =	vmov v5  }
0x1d9: {  	v37 =	vimm.f32 $-Inf;
	v38 =	vimm.f32 $-Inf;
	v39 =	vmovc v5;
	v34 =	vimm.f32 $-Inf;
	v35 =	vmovc v5;
	s5 =	rddreg [dreg:$0xc]  }
.LBB2_7:
.Ltmp10:
0x1da: {  	(pc) =	sbr.rel .LBB2_12-.Ltmp10, $3  }
0x1db: {  	_ =	sdelay $0x1  }
0x1dc: {  	v31 =	vimm.f32 $-Inf;
	v41 =	vmovc v5;
	v36 =	vmovc v5;
	v37 =	vimm.f32 $-Inf;
	v38 =	vimm.f32 $-Inf  }
0x1dd: {  	s24 =	simm.s32 $0x0;
	v39 =	vmovc v5;
	v34 =	vimm.f32 $-Inf;
	v35 =	vmovc v5;
	v28 =	vmov v46;
	s25 =	simm.s32 $0x20;
	v30 =	vmov v47  }
.LBB2_9:
.Ltmp11:
0x1de: {  	(pc) =	sbr.rel .LBB2_12-.Ltmp11, $2  }
0x1df: {  	_ =	sdelay $0x2  }
0x1e0: {  	v41 =	vmovc v5;
	v36 =	vmovc v5;
	v37 =	vimm.f32 $-Inf;
	v38 =	vimm.f32 $-Inf;
	v39 =	vmov v5;
	s25 =	simm.s32 $0x40  }
.LBB2_14:
0x1e1: {  	_ =	sfence.sel $0x180000  }
0x1e2: {  	[bflag:$0x0] =	sbarrier.arrive $0xFFFF  }
0x1e3: {  	_ =	strace $0x90000047  }
0x1e4: {  	s0 =	stileid.u32;
	[bflag:$0x2] =	sbarrier.arrive $0xFFFF  }
0x1e5: {  	p0 =	sne.s32 s0, $0x0;
	s0 =	rddreg [dreg:$0x3]  }
0x1e6: {  	s0 =	sadd.s32 @!p0 $0x100000, s0  }
0x1e7: {  	[sflag:s0] =	ssyncadd.tile.s32 @!p0 $0x1;
	_ =	shalt  }
.Lfunc_end2:
_tile_overlayer_lowered:
.L_overlay_start_2:
0x1e8: {  	(tag) =	ssettag $0x2  }
0x1e9: {  	s0 =	rddreg [dreg:$0x0];
	s2 =	stileid.u32  }
0x1ea: {  	s1 =	rddreg [dreg:$0x1];
	p0 =	sne.s32 s2, $0x0  }
0x1eb: {  	s3 =	rddreg [dreg:$0x2];
	[bflag:$0x3] =	sbarrier.arrive $0xFFFF;
	s2 =	simm.s32 @!p0 $0x1C01  }
0x1ec: {  	[timem:s3], [sflag:s2] =	dma.local @!p0 [hbm:s0], s1  }
0x1ed: {  	s0 =	simm.s32 @!p0 $0x1  }
0x1ee: {  	_ =	swait.ge @!p0 [sflag:s0], s1  }
0x1ef: {  	s1 =	ssub.s32 @!p0 $0x0, s1;
	[sflag:s0] =	ssyncset.done @!p0 $0x0  }
0x1f0: {  	[sflag:s0] =	ssyncadd.s32 @!p0 s1  }
0x1f1: {  	[bflag:$0x3] =	sbarrier.arrive $0xFFFF  }
0x1f2: {  	_ =	shalt  }

</sc_bundles>
